<compile_context>
chip_gen: v7x
topology: tpu7x:2x2x1
jax: 0.10.2.dev20260603
libtpu: 0.0.44.dev20260713+nightly
codegen_flags: <defaults>
</compile_context>

<pallas_src>
import functools

import jax
import jax.numpy as jnp
from jax import lax
from jax.experimental import pallas as pl
from jax.experimental.pallas import tpu as pltpu
from jax.experimental.pallas import tpu_sc as plsc

N_NODES_ = 16384
D_ = 1024
N_OCC_ = 8192

_info = plsc.get_sparse_core_info()
_NC, _NS = _info.num_cores, _info.num_subcores
_NW = _NC * _NS
_BPW = N_OCC_ // _NW
_CHUNK = 16
_NBUF = 6
_SCHED = [(16 * k, 16) for k in range(_BPW // 16)]
_NCHUNK = len(_SCHED)


def _gather_body(table_hbm, idx_hbm, out_hbm, idx_v, bufs, gsems, ssems):
    wid = lax.axis_index("s") * _NC + lax.axis_index("c")
    base = wid * _BPW
    pltpu.sync_copy(idx_hbm.at[pl.ds(base, _BPW)], idx_v)

    def gather_into(c, b):
        start, n = _SCHED[c]
        return pltpu.async_copy(
            table_hbm.at[idx_v.at[pl.ds(start, n)]],
            bufs[b].at[pl.ds(0, n)], gsems[b])

    def store_from(c, b):
        start, n = _SCHED[c]
        return pltpu.async_copy(
            bufs[b].at[pl.ds(0, n)], out_hbm.at[pl.ds(base + start, n)],
            ssems[b])

    gops = [None] * _NBUF
    sops = [None] * _NBUF
    for b in range(_NBUF - 1):
        gops[b] = gather_into(b, b)
    for c in range(_NCHUNK):
        b = c % _NBUF
        gops[b].wait()
        sops[b] = store_from(c, b)
        nxt = c + _NBUF - 1
        if nxt < _NCHUNK:
            bn = nxt % _NBUF
            if sops[bn] is not None:
                sops[bn].wait()
            gops[bn] = gather_into(nxt, bn)
    for b in range(_NBUF):
        if sops[b] is not None:
            sops[b].wait()


def _body(table_hbm, idx_hbm, out_hbm, idx_v, *scratch):
    bufs = list(scratch[:_NBUF])
    gsems = list(scratch[_NBUF:2 * _NBUF])
    ssems = list(scratch[2 * _NBUF:3 * _NBUF])
    _gather_body(table_hbm, idx_hbm, out_hbm, idx_v, bufs, gsems, ssems)


@jax.jit
def _gather(table, idx):
    mesh = plsc.VectorSubcoreMesh(core_axis_name="c", subcore_axis_name="s")
    run = pl.kernel(
        _body,
        mesh=mesh,
        out_type=jax.ShapeDtypeStruct((N_OCC_, D_), jnp.float32),
        scratch_types=(
            [pltpu.VMEM((_BPW,), jnp.int32)]
            + [pltpu.VMEM((_CHUNK, D_), jnp.float32)] * _NBUF
            + [pltpu.SemaphoreType.DMA] * (2 * _NBUF)
        ),
    )
    return run(table, idx)


def kernel(ast_nodes_encodings, ast_nodes_with_symbol_leaf_nodes_indices,
           ast_nodes_with_symbol_leaf_symbol_idx):
    out = _gather(ast_nodes_encodings, ast_nodes_with_symbol_leaf_nodes_indices)
    return (out, ast_nodes_with_symbol_leaf_symbol_idx)

# --- scband reference (transcript-rebuilt; emitter-appended) ---
"""Pipeline reference for scband-symbol-occurrences-extractor-from-encoded-method-54760833024023 (READ-ONLY COPY).

The authoritative reference and input builder live on the scoring server;
editing this copy changes nothing except your own understanding.
"""

import jax, jax.numpy as jnp
import numpy as np

N_NODES = 16384
D_MODEL = 1024
N_OCC = 8192
N_SYMBOLS = 512


def setup_inputs(seed: int = 0) -> dict:
    key = jax.random.key(seed)
    k1, k2, k3 = jax.random.split(key, 3)
    ast_nodes_encodings = jax.random.normal(k1, (N_NODES, D_MODEL), dtype=jnp.float32)
    ast_nodes_with_symbol_leaf_nodes_indices = jax.random.randint(
        k2, (N_OCC,), 0, N_NODES, dtype=jnp.int32)
    ast_nodes_with_symbol_leaf_symbol_idx = jax.random.randint(
        k3, (N_OCC,), 0, N_SYMBOLS, dtype=jnp.int32)
    return {
        'ast_nodes_encodings': ast_nodes_encodings,
        'ast_nodes_with_symbol_leaf_nodes_indices': ast_nodes_with_symbol_leaf_nodes_indices,
        'ast_nodes_with_symbol_leaf_symbol_idx': ast_nodes_with_symbol_leaf_symbol_idx,
    }


def reference(ast_nodes_encodings, ast_nodes_with_symbol_leaf_nodes_indices,
              ast_nodes_with_symbol_leaf_symbol_idx):
    # 'ast' encoder_type with ast_encoder.encoder_type in {'tree', 'paths-folded'} branch:
    # encodings_of_symbols_occurrences = encoded_ast_nodes[indices, :]
    encodings_of_symbols_occurrences = jnp.take(
        ast_nodes_encodings, ast_nodes_with_symbol_leaf_nodes_indices, axis=0)
    symbols_indices_of_symbols_occurrences = ast_nodes_with_symbol_leaf_symbol_idx
    return (encodings_of_symbols_occurrences, symbols_indices_of_symbols_occurrences)

if __name__ == "__main__":
    import jax
    _d = setup_inputs()
    print(jax.jit(kernel)(*tuple(_d.values())))

</pallas_src>

<mosaic_0001>
#map = affine_map<(d0, d1) -> (0, 0)>
#map1 = affine_map<(d0, d1) -> (0)>
module attributes {stable_mosaic.version = 14 : i64} {
  func.func @_body(%arg0: i32, %arg1: i32, %arg2: memref<16384x1024xf32, #tpu.memory_space<hbm>>, %arg3: memref<8192xi32, #tpu.memory_space<hbm>>, %arg4: memref<8192x1024xf32, #tpu.memory_space<hbm>>, %arg5: memref<256xi32, #tpu.memory_space<vmem>>, %arg6: memref<16x1024xf32, #tpu.memory_space<vmem>>, %arg7: memref<16x1024xf32, #tpu.memory_space<vmem>>, %arg8: memref<16x1024xf32, #tpu.memory_space<vmem>>, %arg9: memref<16x1024xf32, #tpu.memory_space<vmem>>, %arg10: memref<16x1024xf32, #tpu.memory_space<vmem>>, %arg11: memref<16x1024xf32, #tpu.memory_space<vmem>>, %arg12: memref<!tpu.dma_semaphore, #tpu.memory_space<semaphore_mem>>, %arg13: memref<!tpu.dma_semaphore, #tpu.memory_space<semaphore_mem>>, %arg14: memref<!tpu.dma_semaphore, #tpu.memory_space<semaphore_mem>>, %arg15: memref<!tpu.dma_semaphore, #tpu.memory_space<semaphore_mem>>, %arg16: memref<!tpu.dma_semaphore, #tpu.memory_space<semaphore_mem>>, %arg17: memref<!tpu.dma_semaphore, #tpu.memory_space<semaphore_mem>>, %arg18: memref<!tpu.dma_semaphore, #tpu.memory_space<semaphore_mem>>, %arg19: memref<!tpu.dma_semaphore, #tpu.memory_space<semaphore_mem>>, %arg20: memref<!tpu.dma_semaphore, #tpu.memory_space<semaphore_mem>>, %arg21: memref<!tpu.dma_semaphore, #tpu.memory_space<semaphore_mem>>, %arg22: memref<!tpu.dma_semaphore, #tpu.memory_space<semaphore_mem>>, %arg23: memref<!tpu.dma_semaphore, #tpu.memory_space<semaphore_mem>>) attributes {dimension_semantics = [#tpu.dimension_semantics<core_parallel>, #tpu.dimension_semantics<subcore_parallel>], iteration_bounds = array<i64: 2, 16>, scalar_prefetch = 0 : i64, scratch_operands = 19 : i64, tpu.core_type = #tpu.core_type<sc_vector_subcore>, window_params = [{transform_indices = #map}, {transform_indices = #map1}, {transform_indices = #map}]} {
    %mul3A = arith.constant 2 : i32
    %mul3A_0 = arith.muli %arg1, %mul3A : i32
    %add3A = arith.addi %mul3A_0, %arg0 : i32
    %mul3A_1 = arith.constant 256 : i32
    %mul3A_2 = arith.muli %add3A, %mul3A_1 : i32
    "tpu.region"() ({
      %run_scoped3A = tpu.sem_alloc : memref<!tpu.dma_semaphore, #tpu.memory_space<semaphore_mem>>
      %dma_start3A_609 = tpu.memref_slice %arg3[%mul3A_2] : memref<8192xi32, #tpu.memory_space<hbm>> -> memref<256xi32, #tpu.memory_space<hbm>>
      %dma_start3A_610 = tpu.memref_slice %arg3[%mul3A_2] : memref<8192xi32, #tpu.memory_space<hbm>> -> memref<256xi32, #tpu.memory_space<hbm>>
      tpu.enqueue_dma source(%dma_start3A_610 : memref<256xi32, #tpu.memory_space<hbm>>) target(%arg5 : memref<256xi32, #tpu.memory_space<vmem>>) target_semaphore(%run_scoped3A : memref<!tpu.dma_semaphore, #tpu.memory_space<semaphore_mem>>)
      %dma_wait3A_611 = tpu.memref_slice %arg3[%mul3A_2] : memref<8192xi32, #tpu.memory_space<hbm>> -> memref<256xi32, #tpu.memory_space<hbm>>
      %dma_wait3A_612 = tpu.memref_slice %arg3[%mul3A_2] : memref<8192xi32, #tpu.memory_space<hbm>> -> memref<256xi32, #tpu.memory_space<hbm>>
      tpu.wait_dma2 semaphore(%run_scoped3A : memref<!tpu.dma_semaphore, #tpu.memory_space<semaphore_mem>>) src(%dma_wait3A_612 : memref<256xi32, #tpu.memory_space<hbm>>) dst(%arg5 : memref<256xi32, #tpu.memory_space<vmem>>)
      tpu.yield
    }) : () -> ()
    %dma_start3A = arith.constant 0 : i32
    %dma_start3A_3 = arith.constant 0 : i32
    %dma_start3A_4 = tpu.memref_slice %arg6[%dma_start3A, %dma_start3A_3] : memref<16x1024xf32, #tpu.memory_space<vmem>> -> memref<16x1024xf32, #tpu.memory_space<vmem>>
    %dma_start3A_5 = arith.constant 0 : i32
    %dma_start3A_6 = tpu.memref_slice %arg5[%dma_start3A_5] : memref<256xi32, #tpu.memory_space<vmem>> -> memref<16xi32, #tpu.memory_space<vmem>>
    %dma_start3A_7 = arith.constant 0 : i32
    %dma_start3A_8 = arith.constant 0 : i32
    %dma_start3A_9 = tpu.memref_slice %arg2[%dma_start3A_7, %dma_start3A_8] : memref<16384x1024xf32, #tpu.memory_space<hbm>> -> memref<16384x1024xf32, #tpu.memory_space<hbm>>
    tpu.enqueue_indirect_dma source(%dma_start3A_9 : memref<16384x1024xf32, #tpu.memory_space<hbm>>) target(%dma_start3A_4 : memref<16x1024xf32, #tpu.memory_space<vmem>>) offsets(%dma_start3A_6 : memref<16xi32, #tpu.memory_space<vmem>>) semaphore(%arg12 : memref<!tpu.dma_semaphore, #tpu.memory_space<semaphore_mem>>)
    %dma_start3A_10 = arith.constant 0 : i32
    %dma_start3A_11 = arith.constant 0 : i32
    %dma_start3A_12 = tpu.memref_slice %arg7[%dma_start3A_10, %dma_start3A_11] : memref<16x1024xf32, #tpu.memory_space<vmem>> -> memref<16x1024xf32, #tpu.memory_space<vmem>>
    %dma_start3A_13 = arith.constant 16 : i32
    %dma_start3A_14 = tpu.memref_slice %arg5[%dma_start3A_13] : memref<256xi32, #tpu.memory_space<vmem>> -> memref<16xi32, #tpu.memory_space<vmem>>
    %dma_start3A_15 = arith.constant 0 : i32
    %dma_start3A_16 = arith.constant 0 : i32
    %dma_start3A_17 = tpu.memref_slice %arg2[%dma_start3A_15, %dma_start3A_16] : memref<16384x1024xf32, #tpu.memory_space<hbm>> -> memref<16384x1024xf32, #tpu.memory_space<hbm>>
    tpu.enqueue_indirect_dma source(%dma_start3A_17 : memref<16384x1024xf32, #tpu.memory_space<hbm>>) target(%dma_start3A_12 : memref<16x1024xf32, #tpu.memory_space<vmem>>) offsets(%dma_start3A_14 : memref<16xi32, #tpu.memory_space<vmem>>) semaphore(%arg13 : memref<!tpu.dma_semaphore, #tpu.memory_space<semaphore_mem>>)
    %dma_start3A_18 = arith.constant 0 : i32
    %dma_start3A_19 = arith.constant 0 : i32
    %dma_start3A_20 = tpu.memref_slice %arg8[%dma_start3A_18, %dma_start3A_19] : memref<16x1024xf32, #tpu.memory_space<vmem>> -> memref<16x1024xf32, #tpu.memory_space<vmem>>
    %dma_start3A_21 = arith.constant 32 : i32
    %dma_start3A_22 = tpu.memref_slice %arg5[%dma_start3A_21] : memref<256xi32, #tpu.memory_space<vmem>> -> memref<16xi32, #tpu.memory_space<vmem>>
    %dma_start3A_23 = arith.constant 0 : i32
    %dma_start3A_24 = arith.constant 0 : i32
    %dma_start3A_25 = tpu.memref_slice %arg2[%dma_start3A_23, %dma_start3A_24] : memref<16384x1024xf32, #tpu.memory_space<hbm>> -> memref<16384x1024xf32, #tpu.memory_space<hbm>>
    tpu.enqueue_indirect_dma source(%dma_start3A_25 : memref<16384x1024xf32, #tpu.memory_space<hbm>>) target(%dma_start3A_20 : memref<16x1024xf32, #tpu.memory_space<vmem>>) offsets(%dma_start3A_22 : memref<16xi32, #tpu.memory_space<vmem>>) semaphore(%arg14 : memref<!tpu.dma_semaphore, #tpu.memory_space<semaphore_mem>>)
    %dma_start3A_26 = arith.constant 0 : i32
    %dma_start3A_27 = arith.constant 0 : i32
    %dma_start3A_28 = tpu.memref_slice %arg9[%dma_start3A_26, %dma_start3A_27] : memref<16x1024xf32, #tpu.memory_space<vmem>> -> memref<16x1024xf32, #tpu.memory_space<vmem>>
    %dma_start3A_29 = arith.constant 48 : i32
    %dma_start3A_30 = tpu.memref_slice %arg5[%dma_start3A_29] : memref<256xi32, #tpu.memory_space<vmem>> -> memref<16xi32, #tpu.memory_space<vmem>>
    %dma_start3A_31 = arith.constant 0 : i32
    %dma_start3A_32 = arith.constant 0 : i32
    %dma_start3A_33 = tpu.memref_slice %arg2[%dma_start3A_31, %dma_start3A_32] : memref<16384x1024xf32, #tpu.memory_space<hbm>> -> memref<16384x1024xf32, #tpu.memory_space<hbm>>
    tpu.enqueue_indirect_dma source(%dma_start3A_33 : memref<16384x1024xf32, #tpu.memory_space<hbm>>) target(%dma_start3A_28 : memref<16x1024xf32, #tpu.memory_space<vmem>>) offsets(%dma_start3A_30 : memref<16xi32, #tpu.memory_space<vmem>>) semaphore(%arg15 : memref<!tpu.dma_semaphore, #tpu.memory_space<semaphore_mem>>)
    %dma_start3A_34 = arith.constant 0 : i32
    %dma_start3A_35 = arith.constant 0 : i32
    %dma_start3A_36 = tpu.memref_slice %arg10[%dma_start3A_34, %dma_start3A_35] : memref<16x1024xf32, #tpu.memory_space<vmem>> -> memref<16x1024xf32, #tpu.memory_space<vmem>>
    %dma_start3A_37 = arith.constant 64 : i32
    %dma_start3A_38 = tpu.memref_slice %arg5[%dma_start3A_37] : memref<256xi32, #tpu.memory_space<vmem>> -> memref<16xi32, #tpu.memory_space<vmem>>
    %dma_start3A_39 = arith.constant 0 : i32
    %dma_start3A_40 = arith.constant 0 : i32
    %dma_start3A_41 = tpu.memref_slice %arg2[%dma_start3A_39, %dma_start3A_40] : memref<16384x1024xf32, #tpu.memory_space<hbm>> -> memref<16384x1024xf32, #tpu.memory_space<hbm>>
    tpu.enqueue_indirect_dma source(%dma_start3A_41 : memref<16384x1024xf32, #tpu.memory_space<hbm>>) target(%dma_start3A_36 : memref<16x1024xf32, #tpu.memory_space<vmem>>) offsets(%dma_start3A_38 : memref<16xi32, #tpu.memory_space<vmem>>) semaphore(%arg16 : memref<!tpu.dma_semaphore, #tpu.memory_space<semaphore_mem>>)
    %dma_wait3A = arith.constant 0 : i32
    %dma_wait3A_42 = arith.constant 0 : i32
    %dma_wait3A_43 = tpu.memref_slice %arg6[%dma_wait3A, %dma_wait3A_42] : memref<16x1024xf32, #tpu.memory_space<vmem>> -> memref<16x1024xf32, #tpu.memory_space<vmem>>
    %dma_wait3A_44 = arith.constant 0 : i32
    %dma_wait3A_45 = tpu.memref_slice %arg5[%dma_wait3A_44] : memref<256xi32, #tpu.memory_space<vmem>> -> memref<16xi32, #tpu.memory_space<vmem>>
    %dma_wait3A_46 = arith.constant 0 : i32
    %dma_wait3A_47 = arith.constant 0 : i32
    %dma_wait3A_48 = tpu.memref_slice %arg2[%dma_wait3A_46, %dma_wait3A_47] : memref<16384x1024xf32, #tpu.memory_space<hbm>> -> memref<16384x1024xf32, #tpu.memory_space<hbm>>
    tpu.wait_indirect_dma semaphore(%arg12 : memref<!tpu.dma_semaphore, #tpu.memory_space<semaphore_mem>>) src(%dma_wait3A_48 : memref<16384x1024xf32, #tpu.memory_space<hbm>>) dst(%dma_wait3A_43 : memref<16x1024xf32, #tpu.memory_space<vmem>>)
    %add3A_49 = arith.constant 0 : i32
    %add3A_50 = arith.addi %mul3A_2, %add3A_49 : i32
    %dma_start3A_51 = arith.constant 0 : i32
    %dma_start3A_52 = arith.constant 0 : i32
    %dma_start3A_53 = tpu.memref_slice %arg6[%dma_start3A_51, %dma_start3A_52] : memref<16x1024xf32, #tpu.memory_space<vmem>> -> memref<16x1024xf32, #tpu.memory_space<vmem>>
    %dma_start3A_54 = arith.constant 0 : i32
    %dma_start3A_55 = tpu.memref_slice %arg4[%add3A_50, %dma_start3A_54] : memref<8192x1024xf32, #tpu.memory_space<hbm>> -> memref<16x1024xf32, #tpu.memory_space<hbm>>
    %dma_start3A_56 = arith.constant 0 : i32
    %dma_start3A_57 = tpu.memref_slice %arg4[%add3A_50, %dma_start3A_56] : memref<8192x1024xf32, #tpu.memory_space<hbm>> -> memref<16x1024xf32, #tpu.memory_space<hbm>>
    %dma_start3A_58 = arith.constant 0 : i32
    %dma_start3A_59 = arith.constant 0 : i32
    %dma_start3A_60 = tpu.memref_slice %arg6[%dma_start3A_58, %dma_start3A_59] : memref<16x1024xf32, #tpu.memory_space<vmem>> -> memref<16x1024xf32, #tpu.memory_space<vmem>>
    tpu.enqueue_dma source(%dma_start3A_60 : memref<16x1024xf32, #tpu.memory_space<vmem>>) target(%dma_start3A_57 : memref<16x1024xf32, #tpu.memory_space<hbm>>) target_semaphore(%arg18 : memref<!tpu.dma_semaphore, #tpu.memory_space<semaphore_mem>>)
    %dma_start3A_61 = arith.constant 0 : i32
    %dma_start3A_62 = arith.constant 0 : i32
    %dma_start3A_63 = tpu.memref_slice %arg11[%dma_start3A_61, %dma_start3A_62] : memref<16x1024xf32, #tpu.memory_space<vmem>> -> memref<16x1024xf32, #tpu.memory_space<vmem>>
    %dma_start3A_64 = arith.constant 80 : i32
    %dma_start3A_65 = tpu.memref_slice %arg5[%dma_start3A_64] : memref<256xi32, #tpu.memory_space<vmem>> -> memref<16xi32, #tpu.memory_space<vmem>>
    %dma_start3A_66 = arith.constant 0 : i32
    %dma_start3A_67 = arith.constant 0 : i32
    %dma_start3A_68 = tpu.memref_slice %arg2[%dma_start3A_66, %dma_start3A_67] : memref<16384x1024xf32, #tpu.memory_space<hbm>> -> memref<16384x1024xf32, #tpu.memory_space<hbm>>
    tpu.enqueue_indirect_dma source(%dma_start3A_68 : memref<16384x1024xf32, #tpu.memory_space<hbm>>) target(%dma_start3A_63 : memref<16x1024xf32, #tpu.memory_space<vmem>>) offsets(%dma_start3A_65 : memref<16xi32, #tpu.memory_space<vmem>>) semaphore(%arg17 : memref<!tpu.dma_semaphore, #tpu.memory_space<semaphore_mem>>)
    %dma_wait3A_69 = arith.constant 0 : i32
    %dma_wait3A_70 = arith.constant 0 : i32
    %dma_wait3A_71 = tpu.memref_slice %arg7[%dma_wait3A_69, %dma_wait3A_70] : memref<16x1024xf32, #tpu.memory_space<vmem>> -> memref<16x1024xf32, #tpu.memory_space<vmem>>
    %dma_wait3A_72 = arith.constant 16 : i32
    %dma_wait3A_73 = tpu.memref_slice %arg5[%dma_wait3A_72] : memref<256xi32, #tpu.memory_space<vmem>> -> memref<16xi32, #tpu.memory_space<vmem>>
    %dma_wait3A_74 = arith.constant 0 : i32
    %dma_wait3A_75 = arith.constant 0 : i32
    %dma_wait3A_76 = tpu.memref_slice %arg2[%dma_wait3A_74, %dma_wait3A_75] : memref<16384x1024xf32, #tpu.memory_space<hbm>> -> memref<16384x1024xf32, #tpu.memory_space<hbm>>
    tpu.wait_indirect_dma semaphore(%arg13 : memref<!tpu.dma_semaphore, #tpu.memory_space<semaphore_mem>>) src(%dma_wait3A_76 : memref<16384x1024xf32, #tpu.memory_space<hbm>>) dst(%dma_wait3A_71 : memref<16x1024xf32, #tpu.memory_space<vmem>>)
    %add3A_77 = arith.constant 16 : i32
    %add3A_78 = arith.addi %mul3A_2, %add3A_77 : i32
    %dma_start3A_79 = arith.constant 0 : i32
    %dma_start3A_80 = arith.constant 0 : i32
    %dma_start3A_81 = tpu.memref_slice %arg7[%dma_start3A_79, %dma_start3A_80] : memref<16x1024xf32, #tpu.memory_space<vmem>> -> memref<16x1024xf32, #tpu.memory_space<vmem>>
    %dma_start3A_82 = arith.constant 0 : i32
    %dma_start3A_83 = tpu.memref_slice %arg4[%add3A_78, %dma_start3A_82] : memref<8192x1024xf32, #tpu.memory_space<hbm>> -> memref<16x1024xf32, #tpu.memory_space<hbm>>
    %dma_start3A_84 = arith.constant 0 : i32
    %dma_start3A_85 = tpu.memref_slice %arg4[%add3A_78, %dma_start3A_84] : memref<8192x1024xf32, #tpu.memory_space<hbm>> -> memref<16x1024xf32, #tpu.memory_space<hbm>>
    %dma_start3A_86 = arith.constant 0 : i32
    %dma_start3A_87 = arith.constant 0 : i32
    %dma_start3A_88 = tpu.memref_slice %arg7[%dma_start3A_86, %dma_start3A_87] : memref<16x1024xf32, #tpu.memory_space<vmem>> -> memref<16x1024xf32, #tpu.memory_space<vmem>>
    tpu.enqueue_dma source(%dma_start3A_88 : memref<16x1024xf32, #tpu.memory_space<vmem>>) target(%dma_start3A_85 : memref<16x1024xf32, #tpu.memory_space<hbm>>) target_semaphore(%arg19 : memref<!tpu.dma_semaphore, #tpu.memory_space<semaphore_mem>>)
    %dma_wait3A_89 = arith.constant 0 : i32
    %dma_wait3A_90 = arith.constant 0 : i32
    %dma_wait3A_91 = tpu.memref_slice %arg6[%dma_wait3A_89, %dma_wait3A_90] : memref<16x1024xf32, #tpu.memory_space<vmem>> -> memref<16x1024xf32, #tpu.memory_space<vmem>>
    %dma_wait3A_92 = arith.constant 0 : i32
    %dma_wait3A_93 = tpu.memref_slice %arg4[%add3A_50, %dma_wait3A_92] : memref<8192x1024xf32, #tpu.memory_space<hbm>> -> memref<16x1024xf32, #tpu.memory_space<hbm>>
    %dma_wait3A_94 = arith.constant 0 : i32
    %dma_wait3A_95 = tpu.memref_slice %arg4[%add3A_50, %dma_wait3A_94] : memref<8192x1024xf32, #tpu.memory_space<hbm>> -> memref<16x1024xf32, #tpu.memory_space<hbm>>
    %dma_wait3A_96 = arith.constant 0 : i32
    %dma_wait3A_97 = arith.constant 0 : i32
    %dma_wait3A_98 = tpu.memref_slice %arg6[%dma_wait3A_96, %dma_wait3A_97] : memref<16x1024xf32, #tpu.memory_space<vmem>> -> memref<16x1024xf32, #tpu.memory_space<vmem>>
    tpu.wait_dma2 semaphore(%arg18 : memref<!tpu.dma_semaphore, #tpu.memory_space<semaphore_mem>>) src(%dma_wait3A_98 : memref<16x1024xf32, #tpu.memory_space<vmem>>) dst(%dma_wait3A_95 : memref<16x1024xf32, #tpu.memory_space<hbm>>)
    %dma_start3A_99 = arith.constant 0 : i32
    %dma_start3A_100 = arith.constant 0 : i32
    %dma_start3A_101 = tpu.memref_slice %arg6[%dma_start3A_99, %dma_start3A_100] : memref<16x1024xf32, #tpu.memory_space<vmem>> -> memref<16x1024xf32, #tpu.memory_space<vmem>>
    %dma_start3A_102 = arith.constant 96 : i32
    %dma_start3A_103 = tpu.memref_slice %arg5[%dma_start3A_102] : memref<256xi32, #tpu.memory_space<vmem>> -> memref<16xi32, #tpu.memory_space<vmem>>
    %dma_start3A_104 = arith.constant 0 : i32
    %dma_start3A_105 = arith.constant 0 : i32
    %dma_start3A_106 = tpu.memref_slice %arg2[%dma_start3A_104, %dma_start3A_105] : memref<16384x1024xf32, #tpu.memory_space<hbm>> -> memref<16384x1024xf32, #tpu.memory_space<hbm>>
    tpu.enqueue_indirect_dma source(%dma_start3A_106 : memref<16384x1024xf32, #tpu.memory_space<hbm>>) target(%dma_start3A_101 : memref<16x1024xf32, #tpu.memory_space<vmem>>) offsets(%dma_start3A_103 : memref<16xi32, #tpu.memory_space<vmem>>) semaphore(%arg12 : memref<!tpu.dma_semaphore, #tpu.memory_space<semaphore_mem>>)
    %dma_wait3A_107 = arith.constant 0 : i32
    %dma_wait3A_108 = arith.constant 0 : i32
    %dma_wait3A_109 = tpu.memref_slice %arg8[%dma_wait3A_107, %dma_wait3A_108] : memref<16x1024xf32, #tpu.memory_space<vmem>> -> memref<16x1024xf32, #tpu.memory_space<vmem>>
    %dma_wait3A_110 = arith.constant 32 : i32
    %dma_wait3A_111 = tpu.memref_slice %arg5[%dma_wait3A_110] : memref<256xi32, #tpu.memory_space<vmem>> -> memref<16xi32, #tpu.memory_space<vmem>>
    %dma_wait3A_112 = arith.constant 0 : i32
    %dma_wait3A_113 = arith.constant 0 : i32
    %dma_wait3A_114 = tpu.memref_slice %arg2[%dma_wait3A_112, %dma_wait3A_113] : memref<16384x1024xf32, #tpu.memory_space<hbm>> -> memref<16384x1024xf32, #tpu.memory_space<hbm>>
    tpu.wait_indirect_dma semaphore(%arg14 : memref<!tpu.dma_semaphore, #tpu.memory_space<semaphore_mem>>) src(%dma_wait3A_114 : memref<16384x1024xf32, #tpu.memory_space<hbm>>) dst(%dma_wait3A_109 : memref<16x1024xf32, #tpu.memory_space<vmem>>)
    %add3A_115 = arith.constant 32 : i32
    %add3A_116 = arith.addi %mul3A_2, %add3A_115 : i32
    %dma_start3A_117 = arith.constant 0 : i32
    %dma_start3A_118 = arith.constant 0 : i32
    %dma_start3A_119 = tpu.memref_slice %arg8[%dma_start3A_117, %dma_start3A_118] : memref<16x1024xf32, #tpu.memory_space<vmem>> -> memref<16x1024xf32, #tpu.memory_space<vmem>>
    %dma_start3A_120 = arith.constant 0 : i32
    %dma_start3A_121 = tpu.memref_slice %arg4[%add3A_116, %dma_start3A_120] : memref<8192x1024xf32, #tpu.memory_space<hbm>> -> memref<16x1024xf32, #tpu.memory_space<hbm>>
    %dma_start3A_122 = arith.constant 0 : i32
    %dma_start3A_123 = tpu.memref_slice %arg4[%add3A_116, %dma_start3A_122] : memref<8192x1024xf32, #tpu.memory_space<hbm>> -> memref<16x1024xf32, #tpu.memory_space<hbm>>
    %dma_start3A_124 = arith.constant 0 : i32
    %dma_start3A_125 = arith.constant 0 : i32
    %dma_start3A_126 = tpu.memref_slice %arg8[%dma_start3A_124, %dma_start3A_125] : memref<16x1024xf32, #tpu.memory_space<vmem>> -> memref<16x1024xf32, #tpu.memory_space<vmem>>
    tpu.enqueue_dma source(%dma_start3A_126 : memref<16x1024xf32, #tpu.memory_space<vmem>>) target(%dma_start3A_123 : memref<16x1024xf32, #tpu.memory_space<hbm>>) target_semaphore(%arg20 : memref<!tpu.dma_semaphore, #tpu.memory_space<semaphore_mem>>)
    %dma_wait3A_127 = arith.constant 0 : i32
    %dma_wait3A_128 = arith.constant 0 : i32
    %dma_wait3A_129 = tpu.memref_slice %arg7[%dma_wait3A_127, %dma_wait3A_128] : memref<16x1024xf32, #tpu.memory_space<vmem>> -> memref<16x1024xf32, #tpu.memory_space<vmem>>
    %dma_wait3A_130 = arith.constant 0 : i32
    %dma_wait3A_131 = tpu.memref_slice %arg4[%add3A_78, %dma_wait3A_130] : memref<8192x1024xf32, #tpu.memory_space<hbm>> -> memref<16x1024xf32, #tpu.memory_space<hbm>>
    %dma_wait3A_132 = arith.constant 0 : i32
    %dma_wait3A_133 = tpu.memref_slice %arg4[%add3A_78, %dma_wait3A_132] : memref<8192x1024xf32, #tpu.memory_space<hbm>> -> memref<16x1024xf32, #tpu.memory_space<hbm>>
    %dma_wait3A_134 = arith.constant 0 : i32
    %dma_wait3A_135 = arith.constant 0 : i32
    %dma_wait3A_136 = tpu.memref_slice %arg7[%dma_wait3A_134, %dma_wait3A_135] : memref<16x1024xf32, #tpu.memory_space<vmem>> -> memref<16x1024xf32, #tpu.memory_space<vmem>>
    tpu.wait_dma2 semaphore(%arg19 : memref<!tpu.dma_semaphore, #tpu.memory_space<semaphore_mem>>) src(%dma_wait3A_136 : memref<16x1024xf32, #tpu.memory_space<vmem>>) dst(%dma_wait3A_133 : memref<16x1024xf32, #tpu.memory_space<hbm>>)
    %dma_start3A_137 = arith.constant 0 : i32
    %dma_start3A_138 = arith.constant 0 : i32
    %dma_start3A_139 = tpu.memref_slice %arg7[%dma_start3A_137, %dma_start3A_138] : memref<16x1024xf32, #tpu.memory_space<vmem>> -> memref<16x1024xf32, #tpu.memory_space<vmem>>
    %dma_start3A_140 = arith.constant 112 : i32
    %dma_start3A_141 = tpu.memref_slice %arg5[%dma_start3A_140] : memref<256xi32, #tpu.memory_space<vmem>> -> memref<16xi32, #tpu.memory_space<vmem>>
    %dma_start3A_142 = arith.constant 0 : i32
    %dma_start3A_143 = arith.constant 0 : i32
    %dma_start3A_144 = tpu.memref_slice %arg2[%dma_start3A_142, %dma_start3A_143] : memref<16384x1024xf32, #tpu.memory_space<hbm>> -> memref<16384x1024xf32, #tpu.memory_space<hbm>>
    tpu.enqueue_indirect_dma source(%dma_start3A_144 : memref<16384x1024xf32, #tpu.memory_space<hbm>>) target(%dma_start3A_139 : memref<16x1024xf32, #tpu.memory_space<vmem>>) offsets(%dma_start3A_141 : memref<16xi32, #tpu.memory_space<vmem>>) semaphore(%arg13 : memref<!tpu.dma_semaphore, #tpu.memory_space<semaphore_mem>>)
    %dma_wait3A_145 = arith.constant 0 : i32
    %dma_wait3A_146 = arith.constant 0 : i32
    %dma_wait3A_147 = tpu.memref_slice %arg9[%dma_wait3A_145, %dma_wait3A_146] : memref<16x1024xf32, #tpu.memory_space<vmem>> -> memref<16x1024xf32, #tpu.memory_space<vmem>>
    %dma_wait3A_148 = arith.constant 48 : i32
    %dma_wait3A_149 = tpu.memref_slice %arg5[%dma_wait3A_148] : memref<256xi32, #tpu.memory_space<vmem>> -> memref<16xi32, #tpu.memory_space<vmem>>
    %dma_wait3A_150 = arith.constant 0 : i32
    %dma_wait3A_151 = arith.constant 0 : i32
    %dma_wait3A_152 = tpu.memref_slice %arg2[%dma_wait3A_150, %dma_wait3A_151] : memref<16384x1024xf32, #tpu.memory_space<hbm>> -> memref<16384x1024xf32, #tpu.memory_space<hbm>>
    tpu.wait_indirect_dma semaphore(%arg15 : memref<!tpu.dma_semaphore, #tpu.memory_space<semaphore_mem>>) src(%dma_wait3A_152 : memref<16384x1024xf32, #tpu.memory_space<hbm>>) dst(%dma_wait3A_147 : memref<16x1024xf32, #tpu.memory_space<vmem>>)
    %add3A_153 = arith.constant 48 : i32
    %add3A_154 = arith.addi %mul3A_2, %add3A_153 : i32
    %dma_start3A_155 = arith.constant 0 : i32
    %dma_start3A_156 = arith.constant 0 : i32
    %dma_start3A_157 = tpu.memref_slice %arg9[%dma_start3A_155, %dma_start3A_156] : memref<16x1024xf32, #tpu.memory_space<vmem>> -> memref<16x1024xf32, #tpu.memory_space<vmem>>
    %dma_start3A_158 = arith.constant 0 : i32
    %dma_start3A_159 = tpu.memref_slice %arg4[%add3A_154, %dma_start3A_158] : memref<8192x1024xf32, #tpu.memory_space<hbm>> -> memref<16x1024xf32, #tpu.memory_space<hbm>>
    %dma_start3A_160 = arith.constant 0 : i32
    %dma_start3A_161 = tpu.memref_slice %arg4[%add3A_154, %dma_start3A_160] : memref<8192x1024xf32, #tpu.memory_space<hbm>> -> memref<16x1024xf32, #tpu.memory_space<hbm>>
    %dma_start3A_162 = arith.constant 0 : i32
    %dma_start3A_163 = arith.constant 0 : i32
    %dma_start3A_164 = tpu.memref_slice %arg9[%dma_start3A_162, %dma_start3A_163] : memref<16x1024xf32, #tpu.memory_space<vmem>> -> memref<16x1024xf32, #tpu.memory_space<vmem>>
    tpu.enqueue_dma source(%dma_start3A_164 : memref<16x1024xf32, #tpu.memory_space<vmem>>) target(%dma_start3A_161 : memref<16x1024xf32, #tpu.memory_space<hbm>>) target_semaphore(%arg21 : memref<!tpu.dma_semaphore, #tpu.memory_space<semaphore_mem>>)
    %dma_wait3A_165 = arith.constant 0 : i32
    %dma_wait3A_166 = arith.constant 0 : i32
    %dma_wait3A_167 = tpu.memref_slice %arg8[%dma_wait3A_165, %dma_wait3A_166] : memref<16x1024xf32, #tpu.memory_space<vmem>> -> memref<16x1024xf32, #tpu.memory_space<vmem>>
    %dma_wait3A_168 = arith.constant 0 : i32
    %dma_wait3A_169 = tpu.memref_slice %arg4[%add3A_116, %dma_wait3A_168] : memref<8192x1024xf32, #tpu.memory_space<hbm>> -> memref<16x1024xf32, #tpu.memory_space<hbm>>
    %dma_wait3A_170 = arith.constant 0 : i32
    %dma_wait3A_171 = tpu.memref_slice %arg4[%add3A_116, %dma_wait3A_170] : memref<8192x1024xf32, #tpu.memory_space<hbm>> -> memref<16x1024xf32, #tpu.memory_space<hbm>>
    %dma_wait3A_172 = arith.constant 0 : i32
    %dma_wait3A_173 = arith.constant 0 : i32
    %dma_wait3A_174 = tpu.memref_slice %arg8[%dma_wait3A_172, %dma_wait3A_173] : memref<16x1024xf32, #tpu.memory_space<vmem>> -> memref<16x1024xf32, #tpu.memory_space<vmem>>
    tpu.wait_dma2 semaphore(%arg20 : memref<!tpu.dma_semaphore, #tpu.memory_space<semaphore_mem>>) src(%dma_wait3A_174 : memref<16x1024xf32, #tpu.memory_space<vmem>>) dst(%dma_wait3A_171 : memref<16x1024xf32, #tpu.memory_space<hbm>>)
    %dma_start3A_175 = arith.constant 0 : i32
    %dma_start3A_176 = arith.constant 0 : i32
    %dma_start3A_177 = tpu.memref_slice %arg8[%dma_start3A_175, %dma_start3A_176] : memref<16x1024xf32, #tpu.memory_space<vmem>> -> memref<16x1024xf32, #tpu.memory_space<vmem>>
    %dma_start3A_178 = arith.constant 128 : i32
    %dma_start3A_179 = tpu.memref_slice %arg5[%dma_start3A_178] : memref<256xi32, #tpu.memory_space<vmem>> -> memref<16xi32, #tpu.memory_space<vmem>>
    %dma_start3A_180 = arith.constant 0 : i32
    %dma_start3A_181 = arith.constant 0 : i32
    %dma_start3A_182 = tpu.memref_slice %arg2[%dma_start3A_180, %dma_start3A_181] : memref<16384x1024xf32, #tpu.memory_space<hbm>> -> memref<16384x1024xf32, #tpu.memory_space<hbm>>
    tpu.enqueue_indirect_dma source(%dma_start3A_182 : memref<16384x1024xf32, #tpu.memory_space<hbm>>) target(%dma_start3A_177 : memref<16x1024xf32, #tpu.memory_space<vmem>>) offsets(%dma_start3A_179 : memref<16xi32, #tpu.memory_space<vmem>>) semaphore(%arg14 : memref<!tpu.dma_semaphore, #tpu.memory_space<semaphore_mem>>)
    %dma_wait3A_183 = arith.constant 0 : i32
    %dma_wait3A_184 = arith.constant 0 : i32
    %dma_wait3A_185 = tpu.memref_slice %arg10[%dma_wait3A_183, %dma_wait3A_184] : memref<16x1024xf32, #tpu.memory_space<vmem>> -> memref<16x1024xf32, #tpu.memory_space<vmem>>
    %dma_wait3A_186 = arith.constant 64 : i32
    %dma_wait3A_187 = tpu.memref_slice %arg5[%dma_wait3A_186] : memref<256xi32, #tpu.memory_space<vmem>> -> memref<16xi32, #tpu.memory_space<vmem>>
    %dma_wait3A_188 = arith.constant 0 : i32
    %dma_wait3A_189 = arith.constant 0 : i32
    %dma_wait3A_190 = tpu.memref_slice %arg2[%dma_wait3A_188, %dma_wait3A_189] : memref<16384x1024xf32, #tpu.memory_space<hbm>> -> memref<16384x1024xf32, #tpu.memory_space<hbm>>
    tpu.wait_indirect_dma semaphore(%arg16 : memref<!tpu.dma_semaphore, #tpu.memory_space<semaphore_mem>>) src(%dma_wait3A_190 : memref<16384x1024xf32, #tpu.memory_space<hbm>>) dst(%dma_wait3A_185 : memref<16x1024xf32, #tpu.memory_space<vmem>>)
    %add3A_191 = arith.constant 64 : i32
    %add3A_192 = arith.addi %mul3A_2, %add3A_191 : i32
    %dma_start3A_193 = arith.constant 0 : i32
    %dma_start3A_194 = arith.constant 0 : i32
    %dma_start3A_195 = tpu.memref_slice %arg10[%dma_start3A_193, %dma_start3A_194] : memref<16x1024xf32, #tpu.memory_space<vmem>> -> memref<16x1024xf32, #tpu.memory_space<vmem>>
    %dma_start3A_196 = arith.constant 0 : i32
    %dma_start3A_197 = tpu.memref_slice %arg4[%add3A_192, %dma_start3A_196] : memref<8192x1024xf32, #tpu.memory_space<hbm>> -> memref<16x1024xf32, #tpu.memory_space<hbm>>
    %dma_start3A_198 = arith.constant 0 : i32
    %dma_start3A_199 = tpu.memref_slice %arg4[%add3A_192, %dma_start3A_198] : memref<8192x1024xf32, #tpu.memory_space<hbm>> -> memref<16x1024xf32, #tpu.memory_space<hbm>>
    %dma_start3A_200 = arith.constant 0 : i32
    %dma_start3A_201 = arith.constant 0 : i32
    %dma_start3A_202 = tpu.memref_slice %arg10[%dma_start3A_200, %dma_start3A_201] : memref<16x1024xf32, #tpu.memory_space<vmem>> -> memref<16x1024xf32, #tpu.memory_space<vmem>>
    tpu.enqueue_dma source(%dma_start3A_202 : memref<16x1024xf32, #tpu.memory_space<vmem>>) target(%dma_start3A_199 : memref<16x1024xf32, #tpu.memory_space<hbm>>) target_semaphore(%arg22 : memref<!tpu.dma_semaphore, #tpu.memory_space<semaphore_mem>>)
    %dma_wait3A_203 = arith.constant 0 : i32
    %dma_wait3A_204 = arith.constant 0 : i32
    %dma_wait3A_205 = tpu.memref_slice %arg9[%dma_wait3A_203, %dma_wait3A_204] : memref<16x1024xf32, #tpu.memory_space<vmem>> -> memref<16x1024xf32, #tpu.memory_space<vmem>>
    %dma_wait3A_206 = arith.constant 0 : i32
    %dma_wait3A_207 = tpu.memref_slice %arg4[%add3A_154, %dma_wait3A_206] : memref<8192x1024xf32, #tpu.memory_space<hbm>> -> memref<16x1024xf32, #tpu.memory_space<hbm>>
    %dma_wait3A_208 = arith.constant 0 : i32
    %dma_wait3A_209 = tpu.memref_slice %arg4[%add3A_154, %dma_wait3A_208] : memref<8192x1024xf32, #tpu.memory_space<hbm>> -> memref<16x1024xf32, #tpu.memory_space<hbm>>
    %dma_wait3A_210 = arith.constant 0 : i32
    %dma_wait3A_211 = arith.constant 0 : i32
    %dma_wait3A_212 = tpu.memref_slice %arg9[%dma_wait3A_210, %dma_wait3A_211] : memref<16x1024xf32, #tpu.memory_space<vmem>> -> memref<16x1024xf32, #tpu.memory_space<vmem>>
    tpu.wait_dma2 semaphore(%arg21 : memref<!tpu.dma_semaphore, #tpu.memory_space<semaphore_mem>>) src(%dma_wait3A_212 : memref<16x1024xf32, #tpu.memory_space<vmem>>) dst(%dma_wait3A_209 : memref<16x1024xf32, #tpu.memory_space<hbm>>)
    %dma_start3A_213 = arith.constant 0 : i32
    %dma_start3A_214 = arith.constant 0 : i32
    %dma_start3A_215 = tpu.memref_slice %arg9[%dma_start3A_213, %dma_start3A_214] : memref<16x1024xf32, #tpu.memory_space<vmem>> -> memref<16x1024xf32, #tpu.memory_space<vmem>>
    %dma_start3A_216 = arith.constant 144 : i32
    %dma_start3A_217 = tpu.memref_slice %arg5[%dma_start3A_216] : memref<256xi32, #tpu.memory_space<vmem>> -> memref<16xi32, #tpu.memory_space<vmem>>
    %dma_start3A_218 = arith.constant 0 : i32
    %dma_start3A_219 = arith.constant 0 : i32
    %dma_start3A_220 = tpu.memref_slice %arg2[%dma_start3A_218, %dma_start3A_219] : memref<16384x1024xf32, #tpu.memory_space<hbm>> -> memref<16384x1024xf32, #tpu.memory_space<hbm>>
    tpu.enqueue_indirect_dma source(%dma_start3A_220 : memref<16384x1024xf32, #tpu.memory_space<hbm>>) target(%dma_start3A_215 : memref<16x1024xf32, #tpu.memory_space<vmem>>) offsets(%dma_start3A_217 : memref<16xi32, #tpu.memory_space<vmem>>) semaphore(%arg15 : memref<!tpu.dma_semaphore, #tpu.memory_space<semaphore_mem>>)
    %dma_wait3A_221 = arith.constant 0 : i32
    %dma_wait3A_222 = arith.constant 0 : i32
    %dma_wait3A_223 = tpu.memref_slice %arg11[%dma_wait3A_221, %dma_wait3A_222] : memref<16x1024xf32, #tpu.memory_space<vmem>> -> memref<16x1024xf32, #tpu.memory_space<vmem>>
    %dma_wait3A_224 = arith.constant 80 : i32
    %dma_wait3A_225 = tpu.memref_slice %arg5[%dma_wait3A_224] : memref<256xi32, #tpu.memory_space<vmem>> -> memref<16xi32, #tpu.memory_space<vmem>>
    %dma_wait3A_226 = arith.constant 0 : i32
    %dma_wait3A_227 = arith.constant 0 : i32
    %dma_wait3A_228 = tpu.memref_slice %arg2[%dma_wait3A_226, %dma_wait3A_227] : memref<16384x1024xf32, #tpu.memory_space<hbm>> -> memref<16384x1024xf32, #tpu.memory_space<hbm>>
    tpu.wait_indirect_dma semaphore(%arg17 : memref<!tpu.dma_semaphore, #tpu.memory_space<semaphore_mem>>) src(%dma_wait3A_228 : memref<16384x1024xf32, #tpu.memory_space<hbm>>) dst(%dma_wait3A_223 : memref<16x1024xf32, #tpu.memory_space<vmem>>)
    %add3A_229 = arith.constant 80 : i32
    %add3A_230 = arith.addi %mul3A_2, %add3A_229 : i32
    %dma_start3A_231 = arith.constant 0 : i32
    %dma_start3A_232 = arith.constant 0 : i32
    %dma_start3A_233 = tpu.memref_slice %arg11[%dma_start3A_231, %dma_start3A_232] : memref<16x1024xf32, #tpu.memory_space<vmem>> -> memref<16x1024xf32, #tpu.memory_space<vmem>>
    %dma_start3A_234 = arith.constant 0 : i32
    %dma_start3A_235 = tpu.memref_slice %arg4[%add3A_230, %dma_start3A_234] : memref<8192x1024xf32, #tpu.memory_space<hbm>> -> memref<16x1024xf32, #tpu.memory_space<hbm>>
    %dma_start3A_236 = arith.constant 0 : i32
    %dma_start3A_237 = tpu.memref_slice %arg4[%add3A_230, %dma_start3A_236] : memref<8192x1024xf32, #tpu.memory_space<hbm>> -> memref<16x1024xf32, #tpu.memory_space<hbm>>
    %dma_start3A_238 = arith.constant 0 : i32
    %dma_start3A_239 = arith.constant 0 : i32
    %dma_start3A_240 = tpu.memref_slice %arg11[%dma_start3A_238, %dma_start3A_239] : memref<16x1024xf32, #tpu.memory_space<vmem>> -> memref<16x1024xf32, #tpu.memory_space<vmem>>
    tpu.enqueue_dma source(%dma_start3A_240 : memref<16x1024xf32, #tpu.memory_space<vmem>>) target(%dma_start3A_237 : memref<16x1024xf32, #tpu.memory_space<hbm>>) target_semaphore(%arg23 : memref<!tpu.dma_semaphore, #tpu.memory_space<semaphore_mem>>)
    %dma_wait3A_241 = arith.constant 0 : i32
    %dma_wait3A_242 = arith.constant 0 : i32
    %dma_wait3A_243 = tpu.memref_slice %arg10[%dma_wait3A_241, %dma_wait3A_242] : memref<16x1024xf32, #tpu.memory_space<vmem>> -> memref<16x1024xf32, #tpu.memory_space<vmem>>
    %dma_wait3A_244 = arith.constant 0 : i32
    %dma_wait3A_245 = tpu.memref_slice %arg4[%add3A_192, %dma_wait3A_244] : memref<8192x1024xf32, #tpu.memory_space<hbm>> -> memref<16x1024xf32, #tpu.memory_space<hbm>>
    %dma_wait3A_246 = arith.constant 0 : i32
    %dma_wait3A_247 = tpu.memref_slice %arg4[%add3A_192, %dma_wait3A_246] : memref<8192x1024xf32, #tpu.memory_space<hbm>> -> memref<16x1024xf32, #tpu.memory_space<hbm>>
    %dma_wait3A_248 = arith.constant 0 : i32
    %dma_wait3A_249 = arith.constant 0 : i32
    %dma_wait3A_250 = tpu.memref_slice %arg10[%dma_wait3A_248, %dma_wait3A_249] : memref<16x1024xf32, #tpu.memory_space<vmem>> -> memref<16x1024xf32, #tpu.memory_space<vmem>>
    tpu.wait_dma2 semaphore(%arg22 : memref<!tpu.dma_semaphore, #tpu.memory_space<semaphore_mem>>) src(%dma_wait3A_250 : memref<16x1024xf32, #tpu.memory_space<vmem>>) dst(%dma_wait3A_247 : memref<16x1024xf32, #tpu.memory_space<hbm>>)
    %dma_start3A_251 = arith.constant 0 : i32
    %dma_start3A_252 = arith.constant 0 : i32
    %dma_start3A_253 = tpu.memref_slice %arg10[%dma_start3A_251, %dma_start3A_252] : memref<16x1024xf32, #tpu.memory_space<vmem>> -> memref<16x1024xf32, #tpu.memory_space<vmem>>
    %dma_start3A_254 = arith.constant 160 : i32
    %dma_start3A_255 = tpu.memref_slice %arg5[%dma_start3A_254] : memref<256xi32, #tpu.memory_space<vmem>> -> memref<16xi32, #tpu.memory_space<vmem>>
    %dma_start3A_256 = arith.constant 0 : i32
    %dma_start3A_257 = arith.constant 0 : i32
    %dma_start3A_258 = tpu.memref_slice %arg2[%dma_start3A_256, %dma_start3A_257] : memref<16384x1024xf32, #tpu.memory_space<hbm>> -> memref<16384x1024xf32, #tpu.memory_space<hbm>>
    tpu.enqueue_indirect_dma source(%dma_start3A_258 : memref<16384x1024xf32, #tpu.memory_space<hbm>>) target(%dma_start3A_253 : memref<16x1024xf32, #tpu.memory_space<vmem>>) offsets(%dma_start3A_255 : memref<16xi32, #tpu.memory_space<vmem>>) semaphore(%arg16 : memref<!tpu.dma_semaphore, #tpu.memory_space<semaphore_mem>>)
    %dma_wait3A_259 = arith.constant 0 : i32
    %dma_wait3A_260 = arith.constant 0 : i32
    %dma_wait3A_261 = tpu.memref_slice %arg6[%dma_wait3A_259, %dma_wait3A_260] : memref<16x1024xf32, #tpu.memory_space<vmem>> -> memref<16x1024xf32, #tpu.memory_space<vmem>>
    %dma_wait3A_262 = arith.constant 96 : i32
    %dma_wait3A_263 = tpu.memref_slice %arg5[%dma_wait3A_262] : memref<256xi32, #tpu.memory_space<vmem>> -> memref<16xi32, #tpu.memory_space<vmem>>
    %dma_wait3A_264 = arith.constant 0 : i32
    %dma_wait3A_265 = arith.constant 0 : i32
    %dma_wait3A_266 = tpu.memref_slice %arg2[%dma_wait3A_264, %dma_wait3A_265] : memref<16384x1024xf32, #tpu.memory_space<hbm>> -> memref<16384x1024xf32, #tpu.memory_space<hbm>>
    tpu.wait_indirect_dma semaphore(%arg12 : memref<!tpu.dma_semaphore, #tpu.memory_space<semaphore_mem>>) src(%dma_wait3A_266 : memref<16384x1024xf32, #tpu.memory_space<hbm>>) dst(%dma_wait3A_261 : memref<16x1024xf32, #tpu.memory_space<vmem>>)
    %add3A_267 = arith.constant 96 : i32
    %add3A_268 = arith.addi %mul3A_2, %add3A_267 : i32
    %dma_start3A_269 = arith.constant 0 : i32
    %dma_start3A_270 = arith.constant 0 : i32
    %dma_start3A_271 = tpu.memref_slice %arg6[%dma_start3A_269, %dma_start3A_270] : memref<16x1024xf32, #tpu.memory_space<vmem>> -> memref<16x1024xf32, #tpu.memory_space<vmem>>
    %dma_start3A_272 = arith.constant 0 : i32
    %dma_start3A_273 = tpu.memref_slice %arg4[%add3A_268, %dma_start3A_272] : memref<8192x1024xf32, #tpu.memory_space<hbm>> -> memref<16x1024xf32, #tpu.memory_space<hbm>>
    %dma_start3A_274 = arith.constant 0 : i32
    %dma_start3A_275 = tpu.memref_slice %arg4[%add3A_268, %dma_start3A_274] : memref<8192x1024xf32, #tpu.memory_space<hbm>> -> memref<16x1024xf32, #tpu.memory_space<hbm>>
    %dma_start3A_276 = arith.constant 0 : i32
    %dma_start3A_277 = arith.constant 0 : i32
    %dma_start3A_278 = tpu.memref_slice %arg6[%dma_start3A_276, %dma_start3A_277] : memref<16x1024xf32, #tpu.memory_space<vmem>> -> memref<16x1024xf32, #tpu.memory_space<vmem>>
    tpu.enqueue_dma source(%dma_start3A_278 : memref<16x1024xf32, #tpu.memory_space<vmem>>) target(%dma_start3A_275 : memref<16x1024xf32, #tpu.memory_space<hbm>>) target_semaphore(%arg18 : memref<!tpu.dma_semaphore, #tpu.memory_space<semaphore_mem>>)
    %dma_wait3A_279 = arith.constant 0 : i32
    %dma_wait3A_280 = arith.constant 0 : i32
    %dma_wait3A_281 = tpu.memref_slice %arg11[%dma_wait3A_279, %dma_wait3A_280] : memref<16x1024xf32, #tpu.memory_space<vmem>> -> memref<16x1024xf32, #tpu.memory_space<vmem>>
    %dma_wait3A_282 = arith.constant 0 : i32
    %dma_wait3A_283 = tpu.memref_slice %arg4[%add3A_230, %dma_wait3A_282] : memref<8192x1024xf32, #tpu.memory_space<hbm>> -> memref<16x1024xf32, #tpu.memory_space<hbm>>
    %dma_wait3A_284 = arith.constant 0 : i32
    %dma_wait3A_285 = tpu.memref_slice %arg4[%add3A_230, %dma_wait3A_284] : memref<8192x1024xf32, #tpu.memory_space<hbm>> -> memref<16x1024xf32, #tpu.memory_space<hbm>>
    %dma_wait3A_286 = arith.constant 0 : i32
    %dma_wait3A_287 = arith.constant 0 : i32
    %dma_wait3A_288 = tpu.memref_slice %arg11[%dma_wait3A_286, %dma_wait3A_287] : memref<16x1024xf32, #tpu.memory_space<vmem>> -> memref<16x1024xf32, #tpu.memory_space<vmem>>
    tpu.wait_dma2 semaphore(%arg23 : memref<!tpu.dma_semaphore, #tpu.memory_space<semaphore_mem>>) src(%dma_wait3A_288 : memref<16x1024xf32, #tpu.memory_space<vmem>>) dst(%dma_wait3A_285 : memref<16x1024xf32, #tpu.memory_space<hbm>>)
    %dma_start3A_289 = arith.constant 0 : i32
    %dma_start3A_290 = arith.constant 0 : i32
    %dma_start3A_291 = tpu.memref_slice %arg11[%dma_start3A_289, %dma_start3A_290] : memref<16x1024xf32, #tpu.memory_space<vmem>> -> memref<16x1024xf32, #tpu.memory_space<vmem>>
    %dma_start3A_292 = arith.constant 176 : i32
    %dma_start3A_293 = tpu.memref_slice %arg5[%dma_start3A_292] : memref<256xi32, #tpu.memory_space<vmem>> -> memref<16xi32, #tpu.memory_space<vmem>>
    %dma_start3A_294 = arith.constant 0 : i32
    %dma_start3A_295 = arith.constant 0 : i32
    %dma_start3A_296 = tpu.memref_slice %arg2[%dma_start3A_294, %dma_start3A_295] : memref<16384x1024xf32, #tpu.memory_space<hbm>> -> memref<16384x1024xf32, #tpu.memory_space<hbm>>
    tpu.enqueue_indirect_dma source(%dma_start3A_296 : memref<16384x1024xf32, #tpu.memory_space<hbm>>) target(%dma_start3A_291 : memref<16x1024xf32, #tpu.memory_space<vmem>>) offsets(%dma_start3A_293 : memref<16xi32, #tpu.memory_space<vmem>>) semaphore(%arg17 : memref<!tpu.dma_semaphore, #tpu.memory_space<semaphore_mem>>)
    %dma_wait3A_297 = arith.constant 0 : i32
    %dma_wait3A_298 = arith.constant 0 : i32
    %dma_wait3A_299 = tpu.memref_slice %arg7[%dma_wait3A_297, %dma_wait3A_298] : memref<16x1024xf32, #tpu.memory_space<vmem>> -> memref<16x1024xf32, #tpu.memory_space<vmem>>
    %dma_wait3A_300 = arith.constant 112 : i32
    %dma_wait3A_301 = tpu.memref_slice %arg5[%dma_wait3A_300] : memref<256xi32, #tpu.memory_space<vmem>> -> memref<16xi32, #tpu.memory_space<vmem>>
    %dma_wait3A_302 = arith.constant 0 : i32
    %dma_wait3A_303 = arith.constant 0 : i32
    %dma_wait3A_304 = tpu.memref_slice %arg2[%dma_wait3A_302, %dma_wait3A_303] : memref<16384x1024xf32, #tpu.memory_space<hbm>> -> memref<16384x1024xf32, #tpu.memory_space<hbm>>
    tpu.wait_indirect_dma semaphore(%arg13 : memref<!tpu.dma_semaphore, #tpu.memory_space<semaphore_mem>>) src(%dma_wait3A_304 : memref<16384x1024xf32, #tpu.memory_space<hbm>>) dst(%dma_wait3A_299 : memref<16x1024xf32, #tpu.memory_space<vmem>>)
    %add3A_305 = arith.constant 112 : i32
    %add3A_306 = arith.addi %mul3A_2, %add3A_305 : i32
    %dma_start3A_307 = arith.constant 0 : i32
    %dma_start3A_308 = arith.constant 0 : i32
    %dma_start3A_309 = tpu.memref_slice %arg7[%dma_start3A_307, %dma_start3A_308] : memref<16x1024xf32, #tpu.memory_space<vmem>> -> memref<16x1024xf32, #tpu.memory_space<vmem>>
    %dma_start3A_310 = arith.constant 0 : i32
    %dma_start3A_311 = tpu.memref_slice %arg4[%add3A_306, %dma_start3A_310] : memref<8192x1024xf32, #tpu.memory_space<hbm>> -> memref<16x1024xf32, #tpu.memory_space<hbm>>
    %dma_start3A_312 = arith.constant 0 : i32
    %dma_start3A_313 = tpu.memref_slice %arg4[%add3A_306, %dma_start3A_312] : memref<8192x1024xf32, #tpu.memory_space<hbm>> -> memref<16x1024xf32, #tpu.memory_space<hbm>>
    %dma_start3A_314 = arith.constant 0 : i32
    %dma_start3A_315 = arith.constant 0 : i32
    %dma_start3A_316 = tpu.memref_slice %arg7[%dma_start3A_314, %dma_start3A_315] : memref<16x1024xf32, #tpu.memory_space<vmem>> -> memref<16x1024xf32, #tpu.memory_space<vmem>>
    tpu.enqueue_dma source(%dma_start3A_316 : memref<16x1024xf32, #tpu.memory_space<vmem>>) target(%dma_start3A_313 : memref<16x1024xf32, #tpu.memory_space<hbm>>) target_semaphore(%arg19 : memref<!tpu.dma_semaphore, #tpu.memory_space<semaphore_mem>>)
    %dma_wait3A_317 = arith.constant 0 : i32
    %dma_wait3A_318 = arith.constant 0 : i32
    %dma_wait3A_319 = tpu.memref_slice %arg6[%dma_wait3A_317, %dma_wait3A_318] : memref<16x1024xf32, #tpu.memory_space<vmem>> -> memref<16x1024xf32, #tpu.memory_space<vmem>>
    %dma_wait3A_320 = arith.constant 0 : i32
    %dma_wait3A_321 = tpu.memref_slice %arg4[%add3A_268, %dma_wait3A_320] : memref<8192x1024xf32, #tpu.memory_space<hbm>> -> memref<16x1024xf32, #tpu.memory_space<hbm>>
    %dma_wait3A_322 = arith.constant 0 : i32
    %dma_wait3A_323 = tpu.memref_slice %arg4[%add3A_268, %dma_wait3A_322] : memref<8192x1024xf32, #tpu.memory_space<hbm>> -> memref<16x1024xf32, #tpu.memory_space<hbm>>
    %dma_wait3A_324 = arith.constant 0 : i32
    %dma_wait3A_325 = arith.constant 0 : i32
    %dma_wait3A_326 = tpu.memref_slice %arg6[%dma_wait3A_324, %dma_wait3A_325] : memref<16x1024xf32, #tpu.memory_space<vmem>> -> memref<16x1024xf32, #tpu.memory_space<vmem>>
    tpu.wait_dma2 semaphore(%arg18 : memref<!tpu.dma_semaphore, #tpu.memory_space<semaphore_mem>>) src(%dma_wait3A_326 : memref<16x1024xf32, #tpu.memory_space<vmem>>) dst(%dma_wait3A_323 : memref<16x1024xf32, #tpu.memory_space<hbm>>)
    %dma_start3A_327 = arith.constant 0 : i32
    %dma_start3A_328 = arith.constant 0 : i32
    %dma_start3A_329 = tpu.memref_slice %arg6[%dma_start3A_327, %dma_start3A_328] : memref<16x1024xf32, #tpu.memory_space<vmem>> -> memref<16x1024xf32, #tpu.memory_space<vmem>>
    %dma_start3A_330 = arith.constant 192 : i32
    %dma_start3A_331 = tpu.memref_slice %arg5[%dma_start3A_330] : memref<256xi32, #tpu.memory_space<vmem>> -> memref<16xi32, #tpu.memory_space<vmem>>
    %dma_start3A_332 = arith.constant 0 : i32
    %dma_start3A_333 = arith.constant 0 : i32
    %dma_start3A_334 = tpu.memref_slice %arg2[%dma_start3A_332, %dma_start3A_333] : memref<16384x1024xf32, #tpu.memory_space<hbm>> -> memref<16384x1024xf32, #tpu.memory_space<hbm>>
    tpu.enqueue_indirect_dma source(%dma_start3A_334 : memref<16384x1024xf32, #tpu.memory_space<hbm>>) target(%dma_start3A_329 : memref<16x1024xf32, #tpu.memory_space<vmem>>) offsets(%dma_start3A_331 : memref<16xi32, #tpu.memory_space<vmem>>) semaphore(%arg12 : memref<!tpu.dma_semaphore, #tpu.memory_space<semaphore_mem>>)
    %dma_wait3A_335 = arith.constant 0 : i32
    %dma_wait3A_336 = arith.constant 0 : i32
    %dma_wait3A_337 = tpu.memref_slice %arg8[%dma_wait3A_335, %dma_wait3A_336] : memref<16x1024xf32, #tpu.memory_space<vmem>> -> memref<16x1024xf32, #tpu.memory_space<vmem>>
    %dma_wait3A_338 = arith.constant 128 : i32
    %dma_wait3A_339 = tpu.memref_slice %arg5[%dma_wait3A_338] : memref<256xi32, #tpu.memory_space<vmem>> -> memref<16xi32, #tpu.memory_space<vmem>>
    %dma_wait3A_340 = arith.constant 0 : i32
    %dma_wait3A_341 = arith.constant 0 : i32
    %dma_wait3A_342 = tpu.memref_slice %arg2[%dma_wait3A_340, %dma_wait3A_341] : memref<16384x1024xf32, #tpu.memory_space<hbm>> -> memref<16384x1024xf32, #tpu.memory_space<hbm>>
    tpu.wait_indirect_dma semaphore(%arg14 : memref<!tpu.dma_semaphore, #tpu.memory_space<semaphore_mem>>) src(%dma_wait3A_342 : memref<16384x1024xf32, #tpu.memory_space<hbm>>) dst(%dma_wait3A_337 : memref<16x1024xf32, #tpu.memory_space<vmem>>)
    %add3A_343 = arith.constant 128 : i32
    %add3A_344 = arith.addi %mul3A_2, %add3A_343 : i32
    %dma_start3A_345 = arith.constant 0 : i32
    %dma_start3A_346 = arith.constant 0 : i32
    %dma_start3A_347 = tpu.memref_slice %arg8[%dma_start3A_345, %dma_start3A_346] : memref<16x1024xf32, #tpu.memory_space<vmem>> -> memref<16x1024xf32, #tpu.memory_space<vmem>>
    %dma_start3A_348 = arith.constant 0 : i32
    %dma_start3A_349 = tpu.memref_slice %arg4[%add3A_344, %dma_start3A_348] : memref<8192x1024xf32, #tpu.memory_space<hbm>> -> memref<16x1024xf32, #tpu.memory_space<hbm>>
    %dma_start3A_350 = arith.constant 0 : i32
    %dma_start3A_351 = tpu.memref_slice %arg4[%add3A_344, %dma_start3A_350] : memref<8192x1024xf32, #tpu.memory_space<hbm>> -> memref<16x1024xf32, #tpu.memory_space<hbm>>
    %dma_start3A_352 = arith.constant 0 : i32
    %dma_start3A_353 = arith.constant 0 : i32
    %dma_start3A_354 = tpu.memref_slice %arg8[%dma_start3A_352, %dma_start3A_353] : memref<16x1024xf32, #tpu.memory_space<vmem>> -> memref<16x1024xf32, #tpu.memory_space<vmem>>
    tpu.enqueue_dma source(%dma_start3A_354 : memref<16x1024xf32, #tpu.memory_space<vmem>>) target(%dma_start3A_351 : memref<16x1024xf32, #tpu.memory_space<hbm>>) target_semaphore(%arg20 : memref<!tpu.dma_semaphore, #tpu.memory_space<semaphore_mem>>)
    %dma_wait3A_355 = arith.constant 0 : i32
    %dma_wait3A_356 = arith.constant 0 : i32
    %dma_wait3A_357 = tpu.memref_slice %arg7[%dma_wait3A_355, %dma_wait3A_356] : memref<16x1024xf32, #tpu.memory_space<vmem>> -> memref<16x1024xf32, #tpu.memory_space<vmem>>
    %dma_wait3A_358 = arith.constant 0 : i32
    %dma_wait3A_359 = tpu.memref_slice %arg4[%add3A_306, %dma_wait3A_358] : memref<8192x1024xf32, #tpu.memory_space<hbm>> -> memref<16x1024xf32, #tpu.memory_space<hbm>>
    %dma_wait3A_360 = arith.constant 0 : i32
    %dma_wait3A_361 = tpu.memref_slice %arg4[%add3A_306, %dma_wait3A_360] : memref<8192x1024xf32, #tpu.memory_space<hbm>> -> memref<16x1024xf32, #tpu.memory_space<hbm>>
    %dma_wait3A_362 = arith.constant 0 : i32
    %dma_wait3A_363 = arith.constant 0 : i32
    %dma_wait3A_364 = tpu.memref_slice %arg7[%dma_wait3A_362, %dma_wait3A_363] : memref<16x1024xf32, #tpu.memory_space<vmem>> -> memref<16x1024xf32, #tpu.memory_space<vmem>>
    tpu.wait_dma2 semaphore(%arg19 : memref<!tpu.dma_semaphore, #tpu.memory_space<semaphore_mem>>) src(%dma_wait3A_364 : memref<16x1024xf32, #tpu.memory_space<vmem>>) dst(%dma_wait3A_361 : memref<16x1024xf32, #tpu.memory_space<hbm>>)
    %dma_start3A_365 = arith.constant 0 : i32
    %dma_start3A_366 = arith.constant 0 : i32
    %dma_start3A_367 = tpu.memref_slice %arg7[%dma_start3A_365, %dma_start3A_366] : memref<16x1024xf32, #tpu.memory_space<vmem>> -> memref<16x1024xf32, #tpu.memory_space<vmem>>
    %dma_start3A_368 = arith.constant 208 : i32
    %dma_start3A_369 = tpu.memref_slice %arg5[%dma_start3A_368] : memref<256xi32, #tpu.memory_space<vmem>> -> memref<16xi32, #tpu.memory_space<vmem>>
    %dma_start3A_370 = arith.constant 0 : i32
    %dma_start3A_371 = arith.constant 0 : i32
    %dma_start3A_372 = tpu.memref_slice %arg2[%dma_start3A_370, %dma_start3A_371] : memref<16384x1024xf32, #tpu.memory_space<hbm>> -> memref<16384x1024xf32, #tpu.memory_space<hbm>>
    tpu.enqueue_indirect_dma source(%dma_start3A_372 : memref<16384x1024xf32, #tpu.memory_space<hbm>>) target(%dma_start3A_367 : memref<16x1024xf32, #tpu.memory_space<vmem>>) offsets(%dma_start3A_369 : memref<16xi32, #tpu.memory_space<vmem>>) semaphore(%arg13 : memref<!tpu.dma_semaphore, #tpu.memory_space<semaphore_mem>>)
    %dma_wait3A_373 = arith.constant 0 : i32
    %dma_wait3A_374 = arith.constant 0 : i32
    %dma_wait3A_375 = tpu.memref_slice %arg9[%dma_wait3A_373, %dma_wait3A_374] : memref<16x1024xf32, #tpu.memory_space<vmem>> -> memref<16x1024xf32, #tpu.memory_space<vmem>>
    %dma_wait3A_376 = arith.constant 144 : i32
    %dma_wait3A_377 = tpu.memref_slice %arg5[%dma_wait3A_376] : memref<256xi32, #tpu.memory_space<vmem>> -> memref<16xi32, #tpu.memory_space<vmem>>
    %dma_wait3A_378 = arith.constant 0 : i32
    %dma_wait3A_379 = arith.constant 0 : i32
    %dma_wait3A_380 = tpu.memref_slice %arg2[%dma_wait3A_378, %dma_wait3A_379] : memref<16384x1024xf32, #tpu.memory_space<hbm>> -> memref<16384x1024xf32, #tpu.memory_space<hbm>>
    tpu.wait_indirect_dma semaphore(%arg15 : memref<!tpu.dma_semaphore, #tpu.memory_space<semaphore_mem>>) src(%dma_wait3A_380 : memref<16384x1024xf32, #tpu.memory_space<hbm>>) dst(%dma_wait3A_375 : memref<16x1024xf32, #tpu.memory_space<vmem>>)
    %add3A_381 = arith.constant 144 : i32
    %add3A_382 = arith.addi %mul3A_2, %add3A_381 : i32
    %dma_start3A_383 = arith.constant 0 : i32
    %dma_start3A_384 = arith.constant 0 : i32
    %dma_start3A_385 = tpu.memref_slice %arg9[%dma_start3A_383, %dma_start3A_384] : memref<16x1024xf32, #tpu.memory_space<vmem>> -> memref<16x1024xf32, #tpu.memory_space<vmem>>
    %dma_start3A_386 = arith.constant 0 : i32
    %dma_start3A_387 = tpu.memref_slice %arg4[%add3A_382, %dma_start3A_386] : memref<8192x1024xf32, #tpu.memory_space<hbm>> -> memref<16x1024xf32, #tpu.memory_space<hbm>>
    %dma_start3A_388 = arith.constant 0 : i32
    %dma_start3A_389 = tpu.memref_slice %arg4[%add3A_382, %dma_start3A_388] : memref<8192x1024xf32, #tpu.memory_space<hbm>> -> memref<16x1024xf32, #tpu.memory_space<hbm>>
    %dma_start3A_390 = arith.constant 0 : i32
    %dma_start3A_391 = arith.constant 0 : i32
    %dma_start3A_392 = tpu.memref_slice %arg9[%dma_start3A_390, %dma_start3A_391] : memref<16x1024xf32, #tpu.memory_space<vmem>> -> memref<16x1024xf32, #tpu.memory_space<vmem>>
    tpu.enqueue_dma source(%dma_start3A_392 : memref<16x1024xf32, #tpu.memory_space<vmem>>) target(%dma_start3A_389 : memref<16x1024xf32, #tpu.memory_space<hbm>>) target_semaphore(%arg21 : memref<!tpu.dma_semaphore, #tpu.memory_space<semaphore_mem>>)
    %dma_wait3A_393 = arith.constant 0 : i32
    %dma_wait3A_394 = arith.constant 0 : i32
    %dma_wait3A_395 = tpu.memref_slice %arg8[%dma_wait3A_393, %dma_wait3A_394] : memref<16x1024xf32, #tpu.memory_space<vmem>> -> memref<16x1024xf32, #tpu.memory_space<vmem>>
    %dma_wait3A_396 = arith.constant 0 : i32
    %dma_wait3A_397 = tpu.memref_slice %arg4[%add3A_344, %dma_wait3A_396] : memref<8192x1024xf32, #tpu.memory_space<hbm>> -> memref<16x1024xf32, #tpu.memory_space<hbm>>
    %dma_wait3A_398 = arith.constant 0 : i32
    %dma_wait3A_399 = tpu.memref_slice %arg4[%add3A_344, %dma_wait3A_398] : memref<8192x1024xf32, #tpu.memory_space<hbm>> -> memref<16x1024xf32, #tpu.memory_space<hbm>>
    %dma_wait3A_400 = arith.constant 0 : i32
    %dma_wait3A_401 = arith.constant 0 : i32
    %dma_wait3A_402 = tpu.memref_slice %arg8[%dma_wait3A_400, %dma_wait3A_401] : memref<16x1024xf32, #tpu.memory_space<vmem>> -> memref<16x1024xf32, #tpu.memory_space<vmem>>
    tpu.wait_dma2 semaphore(%arg20 : memref<!tpu.dma_semaphore, #tpu.memory_space<semaphore_mem>>) src(%dma_wait3A_402 : memref<16x1024xf32, #tpu.memory_space<vmem>>) dst(%dma_wait3A_399 : memref<16x1024xf32, #tpu.memory_space<hbm>>)
    %dma_start3A_403 = arith.constant 0 : i32
    %dma_start3A_404 = arith.constant 0 : i32
    %dma_start3A_405 = tpu.memref_slice %arg8[%dma_start3A_403, %dma_start3A_404] : memref<16x1024xf32, #tpu.memory_space<vmem>> -> memref<16x1024xf32, #tpu.memory_space<vmem>>
    %dma_start3A_406 = arith.constant 224 : i32
    %dma_start3A_407 = tpu.memref_slice %arg5[%dma_start3A_406] : memref<256xi32, #tpu.memory_space<vmem>> -> memref<16xi32, #tpu.memory_space<vmem>>
    %dma_start3A_408 = arith.constant 0 : i32
    %dma_start3A_409 = arith.constant 0 : i32
    %dma_start3A_410 = tpu.memref_slice %arg2[%dma_start3A_408, %dma_start3A_409] : memref<16384x1024xf32, #tpu.memory_space<hbm>> -> memref<16384x1024xf32, #tpu.memory_space<hbm>>
    tpu.enqueue_indirect_dma source(%dma_start3A_410 : memref<16384x1024xf32, #tpu.memory_space<hbm>>) target(%dma_start3A_405 : memref<16x1024xf32, #tpu.memory_space<vmem>>) offsets(%dma_start3A_407 : memref<16xi32, #tpu.memory_space<vmem>>) semaphore(%arg14 : memref<!tpu.dma_semaphore, #tpu.memory_space<semaphore_mem>>)
    %dma_wait3A_411 = arith.constant 0 : i32
    %dma_wait3A_412 = arith.constant 0 : i32
    %dma_wait3A_413 = tpu.memref_slice %arg10[%dma_wait3A_411, %dma_wait3A_412] : memref<16x1024xf32, #tpu.memory_space<vmem>> -> memref<16x1024xf32, #tpu.memory_space<vmem>>
    %dma_wait3A_414 = arith.constant 160 : i32
    %dma_wait3A_415 = tpu.memref_slice %arg5[%dma_wait3A_414] : memref<256xi32, #tpu.memory_space<vmem>> -> memref<16xi32, #tpu.memory_space<vmem>>
    %dma_wait3A_416 = arith.constant 0 : i32
    %dma_wait3A_417 = arith.constant 0 : i32
    %dma_wait3A_418 = tpu.memref_slice %arg2[%dma_wait3A_416, %dma_wait3A_417] : memref<16384x1024xf32, #tpu.memory_space<hbm>> -> memref<16384x1024xf32, #tpu.memory_space<hbm>>
    tpu.wait_indirect_dma semaphore(%arg16 : memref<!tpu.dma_semaphore, #tpu.memory_space<semaphore_mem>>) src(%dma_wait3A_418 : memref<16384x1024xf32, #tpu.memory_space<hbm>>) dst(%dma_wait3A_413 : memref<16x1024xf32, #tpu.memory_space<vmem>>)
    %add3A_419 = arith.constant 160 : i32
    %add3A_420 = arith.addi %mul3A_2, %add3A_419 : i32
    %dma_start3A_421 = arith.constant 0 : i32
    %dma_start3A_422 = arith.constant 0 : i32
    %dma_start3A_423 = tpu.memref_slice %arg10[%dma_start3A_421, %dma_start3A_422] : memref<16x1024xf32, #tpu.memory_space<vmem>> -> memref<16x1024xf32, #tpu.memory_space<vmem>>
    %dma_start3A_424 = arith.constant 0 : i32
    %dma_start3A_425 = tpu.memref_slice %arg4[%add3A_420, %dma_start3A_424] : memref<8192x1024xf32, #tpu.memory_space<hbm>> -> memref<16x1024xf32, #tpu.memory_space<hbm>>
    %dma_start3A_426 = arith.constant 0 : i32
    %dma_start3A_427 = tpu.memref_slice %arg4[%add3A_420, %dma_start3A_426] : memref<8192x1024xf32, #tpu.memory_space<hbm>> -> memref<16x1024xf32, #tpu.memory_space<hbm>>
    %dma_start3A_428 = arith.constant 0 : i32
    %dma_start3A_429 = arith.constant 0 : i32
    %dma_start3A_430 = tpu.memref_slice %arg10[%dma_start3A_428, %dma_start3A_429] : memref<16x1024xf32, #tpu.memory_space<vmem>> -> memref<16x1024xf32, #tpu.memory_space<vmem>>
    tpu.enqueue_dma source(%dma_start3A_430 : memref<16x1024xf32, #tpu.memory_space<vmem>>) target(%dma_start3A_427 : memref<16x1024xf32, #tpu.memory_space<hbm>>) target_semaphore(%arg22 : memref<!tpu.dma_semaphore, #tpu.memory_space<semaphore_mem>>)
    %dma_wait3A_431 = arith.constant 0 : i32
    %dma_wait3A_432 = arith.constant 0 : i32
    %dma_wait3A_433 = tpu.memref_slice %arg9[%dma_wait3A_431, %dma_wait3A_432] : memref<16x1024xf32, #tpu.memory_space<vmem>> -> memref<16x1024xf32, #tpu.memory_space<vmem>>
    %dma_wait3A_434 = arith.constant 0 : i32
    %dma_wait3A_435 = tpu.memref_slice %arg4[%add3A_382, %dma_wait3A_434] : memref<8192x1024xf32, #tpu.memory_space<hbm>> -> memref<16x1024xf32, #tpu.memory_space<hbm>>
    %dma_wait3A_436 = arith.constant 0 : i32
    %dma_wait3A_437 = tpu.memref_slice %arg4[%add3A_382, %dma_wait3A_436] : memref<8192x1024xf32, #tpu.memory_space<hbm>> -> memref<16x1024xf32, #tpu.memory_space<hbm>>
    %dma_wait3A_438 = arith.constant 0 : i32
    %dma_wait3A_439 = arith.constant 0 : i32
    %dma_wait3A_440 = tpu.memref_slice %arg9[%dma_wait3A_438, %dma_wait3A_439] : memref<16x1024xf32, #tpu.memory_space<vmem>> -> memref<16x1024xf32, #tpu.memory_space<vmem>>
    tpu.wait_dma2 semaphore(%arg21 : memref<!tpu.dma_semaphore, #tpu.memory_space<semaphore_mem>>) src(%dma_wait3A_440 : memref<16x1024xf32, #tpu.memory_space<vmem>>) dst(%dma_wait3A_437 : memref<16x1024xf32, #tpu.memory_space<hbm>>)
    %dma_start3A_441 = arith.constant 0 : i32
    %dma_start3A_442 = arith.constant 0 : i32
    %dma_start3A_443 = tpu.memref_slice %arg9[%dma_start3A_441, %dma_start3A_442] : memref<16x1024xf32, #tpu.memory_space<vmem>> -> memref<16x1024xf32, #tpu.memory_space<vmem>>
    %dma_start3A_444 = arith.constant 240 : i32
    %dma_start3A_445 = tpu.memref_slice %arg5[%dma_start3A_444] : memref<256xi32, #tpu.memory_space<vmem>> -> memref<16xi32, #tpu.memory_space<vmem>>
    %dma_start3A_446 = arith.constant 0 : i32
    %dma_start3A_447 = arith.constant 0 : i32
    %dma_start3A_448 = tpu.memref_slice %arg2[%dma_start3A_446, %dma_start3A_447] : memref<16384x1024xf32, #tpu.memory_space<hbm>> -> memref<16384x1024xf32, #tpu.memory_space<hbm>>
    tpu.enqueue_indirect_dma source(%dma_start3A_448 : memref<16384x1024xf32, #tpu.memory_space<hbm>>) target(%dma_start3A_443 : memref<16x1024xf32, #tpu.memory_space<vmem>>) offsets(%dma_start3A_445 : memref<16xi32, #tpu.memory_space<vmem>>) semaphore(%arg15 : memref<!tpu.dma_semaphore, #tpu.memory_space<semaphore_mem>>)
    %dma_wait3A_449 = arith.constant 0 : i32
    %dma_wait3A_450 = arith.constant 0 : i32
    %dma_wait3A_451 = tpu.memref_slice %arg11[%dma_wait3A_449, %dma_wait3A_450] : memref<16x1024xf32, #tpu.memory_space<vmem>> -> memref<16x1024xf32, #tpu.memory_space<vmem>>
    %dma_wait3A_452 = arith.constant 176 : i32
    %dma_wait3A_453 = tpu.memref_slice %arg5[%dma_wait3A_452] : memref<256xi32, #tpu.memory_space<vmem>> -> memref<16xi32, #tpu.memory_space<vmem>>
    %dma_wait3A_454 = arith.constant 0 : i32
    %dma_wait3A_455 = arith.constant 0 : i32
    %dma_wait3A_456 = tpu.memref_slice %arg2[%dma_wait3A_454, %dma_wait3A_455] : memref<16384x1024xf32, #tpu.memory_space<hbm>> -> memref<16384x1024xf32, #tpu.memory_space<hbm>>
    tpu.wait_indirect_dma semaphore(%arg17 : memref<!tpu.dma_semaphore, #tpu.memory_space<semaphore_mem>>) src(%dma_wait3A_456 : memref<16384x1024xf32, #tpu.memory_space<hbm>>) dst(%dma_wait3A_451 : memref<16x1024xf32, #tpu.memory_space<vmem>>)
    %add3A_457 = arith.constant 176 : i32
    %add3A_458 = arith.addi %mul3A_2, %add3A_457 : i32
    %dma_start3A_459 = arith.constant 0 : i32
    %dma_start3A_460 = arith.constant 0 : i32
    %dma_start3A_461 = tpu.memref_slice %arg11[%dma_start3A_459, %dma_start3A_460] : memref<16x1024xf32, #tpu.memory_space<vmem>> -> memref<16x1024xf32, #tpu.memory_space<vmem>>
    %dma_start3A_462 = arith.constant 0 : i32
    %dma_start3A_463 = tpu.memref_slice %arg4[%add3A_458, %dma_start3A_462] : memref<8192x1024xf32, #tpu.memory_space<hbm>> -> memref<16x1024xf32, #tpu.memory_space<hbm>>
    %dma_start3A_464 = arith.constant 0 : i32
    %dma_start3A_465 = tpu.memref_slice %arg4[%add3A_458, %dma_start3A_464] : memref<8192x1024xf32, #tpu.memory_space<hbm>> -> memref<16x1024xf32, #tpu.memory_space<hbm>>
    %dma_start3A_466 = arith.constant 0 : i32
    %dma_start3A_467 = arith.constant 0 : i32
    %dma_start3A_468 = tpu.memref_slice %arg11[%dma_start3A_466, %dma_start3A_467] : memref<16x1024xf32, #tpu.memory_space<vmem>> -> memref<16x1024xf32, #tpu.memory_space<vmem>>
    tpu.enqueue_dma source(%dma_start3A_468 : memref<16x1024xf32, #tpu.memory_space<vmem>>) target(%dma_start3A_465 : memref<16x1024xf32, #tpu.memory_space<hbm>>) target_semaphore(%arg23 : memref<!tpu.dma_semaphore, #tpu.memory_space<semaphore_mem>>)
    %dma_wait3A_469 = arith.constant 0 : i32
    %dma_wait3A_470 = arith.constant 0 : i32
    %dma_wait3A_471 = tpu.memref_slice %arg6[%dma_wait3A_469, %dma_wait3A_470] : memref<16x1024xf32, #tpu.memory_space<vmem>> -> memref<16x1024xf32, #tpu.memory_space<vmem>>
    %dma_wait3A_472 = arith.constant 192 : i32
    %dma_wait3A_473 = tpu.memref_slice %arg5[%dma_wait3A_472] : memref<256xi32, #tpu.memory_space<vmem>> -> memref<16xi32, #tpu.memory_space<vmem>>
    %dma_wait3A_474 = arith.constant 0 : i32
    %dma_wait3A_475 = arith.constant 0 : i32
    %dma_wait3A_476 = tpu.memref_slice %arg2[%dma_wait3A_474, %dma_wait3A_475] : memref<16384x1024xf32, #tpu.memory_space<hbm>> -> memref<16384x1024xf32, #tpu.memory_space<hbm>>
    tpu.wait_indirect_dma semaphore(%arg12 : memref<!tpu.dma_semaphore, #tpu.memory_space<semaphore_mem>>) src(%dma_wait3A_476 : memref<16384x1024xf32, #tpu.memory_space<hbm>>) dst(%dma_wait3A_471 : memref<16x1024xf32, #tpu.memory_space<vmem>>)
    %add3A_477 = arith.constant 192 : i32
    %add3A_478 = arith.addi %mul3A_2, %add3A_477 : i32
    %dma_start3A_479 = arith.constant 0 : i32
    %dma_start3A_480 = arith.constant 0 : i32
    %dma_start3A_481 = tpu.memref_slice %arg6[%dma_start3A_479, %dma_start3A_480] : memref<16x1024xf32, #tpu.memory_space<vmem>> -> memref<16x1024xf32, #tpu.memory_space<vmem>>
    %dma_start3A_482 = arith.constant 0 : i32
    %dma_start3A_483 = tpu.memref_slice %arg4[%add3A_478, %dma_start3A_482] : memref<8192x1024xf32, #tpu.memory_space<hbm>> -> memref<16x1024xf32, #tpu.memory_space<hbm>>
    %dma_start3A_484 = arith.constant 0 : i32
    %dma_start3A_485 = tpu.memref_slice %arg4[%add3A_478, %dma_start3A_484] : memref<8192x1024xf32, #tpu.memory_space<hbm>> -> memref<16x1024xf32, #tpu.memory_space<hbm>>
    %dma_start3A_486 = arith.constant 0 : i32
    %dma_start3A_487 = arith.constant 0 : i32
    %dma_start3A_488 = tpu.memref_slice %arg6[%dma_start3A_486, %dma_start3A_487] : memref<16x1024xf32, #tpu.memory_space<vmem>> -> memref<16x1024xf32, #tpu.memory_space<vmem>>
    tpu.enqueue_dma source(%dma_start3A_488 : memref<16x1024xf32, #tpu.memory_space<vmem>>) target(%dma_start3A_485 : memref<16x1024xf32, #tpu.memory_space<hbm>>) target_semaphore(%arg18 : memref<!tpu.dma_semaphore, #tpu.memory_space<semaphore_mem>>)
    %dma_wait3A_489 = arith.constant 0 : i32
    %dma_wait3A_490 = arith.constant 0 : i32
    %dma_wait3A_491 = tpu.memref_slice %arg7[%dma_wait3A_489, %dma_wait3A_490] : memref<16x1024xf32, #tpu.memory_space<vmem>> -> memref<16x1024xf32, #tpu.memory_space<vmem>>
    %dma_wait3A_492 = arith.constant 208 : i32
    %dma_wait3A_493 = tpu.memref_slice %arg5[%dma_wait3A_492] : memref<256xi32, #tpu.memory_space<vmem>> -> memref<16xi32, #tpu.memory_space<vmem>>
    %dma_wait3A_494 = arith.constant 0 : i32
    %dma_wait3A_495 = arith.constant 0 : i32
    %dma_wait3A_496 = tpu.memref_slice %arg2[%dma_wait3A_494, %dma_wait3A_495] : memref<16384x1024xf32, #tpu.memory_space<hbm>> -> memref<16384x1024xf32, #tpu.memory_space<hbm>>
    tpu.wait_indirect_dma semaphore(%arg13 : memref<!tpu.dma_semaphore, #tpu.memory_space<semaphore_mem>>) src(%dma_wait3A_496 : memref<16384x1024xf32, #tpu.memory_space<hbm>>) dst(%dma_wait3A_491 : memref<16x1024xf32, #tpu.memory_space<vmem>>)
    %add3A_497 = arith.constant 208 : i32
    %add3A_498 = arith.addi %mul3A_2, %add3A_497 : i32
    %dma_start3A_499 = arith.constant 0 : i32
    %dma_start3A_500 = arith.constant 0 : i32
    %dma_start3A_501 = tpu.memref_slice %arg7[%dma_start3A_499, %dma_start3A_500] : memref<16x1024xf32, #tpu.memory_space<vmem>> -> memref<16x1024xf32, #tpu.memory_space<vmem>>
    %dma_start3A_502 = arith.constant 0 : i32
    %dma_start3A_503 = tpu.memref_slice %arg4[%add3A_498, %dma_start3A_502] : memref<8192x1024xf32, #tpu.memory_space<hbm>> -> memref<16x1024xf32, #tpu.memory_space<hbm>>
    %dma_start3A_504 = arith.constant 0 : i32
    %dma_start3A_505 = tpu.memref_slice %arg4[%add3A_498, %dma_start3A_504] : memref<8192x1024xf32, #tpu.memory_space<hbm>> -> memref<16x1024xf32, #tpu.memory_space<hbm>>
    %dma_start3A_506 = arith.constant 0 : i32
    %dma_start3A_507 = arith.constant 0 : i32
    %dma_start3A_508 = tpu.memref_slice %arg7[%dma_start3A_506, %dma_start3A_507] : memref<16x1024xf32, #tpu.memory_space<vmem>> -> memref<16x1024xf32, #tpu.memory_space<vmem>>
    tpu.enqueue_dma source(%dma_start3A_508 : memref<16x1024xf32, #tpu.memory_space<vmem>>) target(%dma_start3A_505 : memref<16x1024xf32, #tpu.memory_space<hbm>>) target_semaphore(%arg19 : memref<!tpu.dma_semaphore, #tpu.memory_space<semaphore_mem>>)
    %dma_wait3A_509 = arith.constant 0 : i32
    %dma_wait3A_510 = arith.constant 0 : i32
    %dma_wait3A_511 = tpu.memref_slice %arg8[%dma_wait3A_509, %dma_wait3A_510] : memref<16x1024xf32, #tpu.memory_space<vmem>> -> memref<16x1024xf32, #tpu.memory_space<vmem>>
    %dma_wait3A_512 = arith.constant 224 : i32
    %dma_wait3A_513 = tpu.memref_slice %arg5[%dma_wait3A_512] : memref<256xi32, #tpu.memory_space<vmem>> -> memref<16xi32, #tpu.memory_space<vmem>>
    %dma_wait3A_514 = arith.constant 0 : i32
    %dma_wait3A_515 = arith.constant 0 : i32
    %dma_wait3A_516 = tpu.memref_slice %arg2[%dma_wait3A_514, %dma_wait3A_515] : memref<16384x1024xf32, #tpu.memory_space<hbm>> -> memref<16384x1024xf32, #tpu.memory_space<hbm>>
    tpu.wait_indirect_dma semaphore(%arg14 : memref<!tpu.dma_semaphore, #tpu.memory_space<semaphore_mem>>) src(%dma_wait3A_516 : memref<16384x1024xf32, #tpu.memory_space<hbm>>) dst(%dma_wait3A_511 : memref<16x1024xf32, #tpu.memory_space<vmem>>)
    %add3A_517 = arith.constant 224 : i32
    %add3A_518 = arith.addi %mul3A_2, %add3A_517 : i32
    %dma_start3A_519 = arith.constant 0 : i32
    %dma_start3A_520 = arith.constant 0 : i32
    %dma_start3A_521 = tpu.memref_slice %arg8[%dma_start3A_519, %dma_start3A_520] : memref<16x1024xf32, #tpu.memory_space<vmem>> -> memref<16x1024xf32, #tpu.memory_space<vmem>>
    %dma_start3A_522 = arith.constant 0 : i32
    %dma_start3A_523 = tpu.memref_slice %arg4[%add3A_518, %dma_start3A_522] : memref<8192x1024xf32, #tpu.memory_space<hbm>> -> memref<16x1024xf32, #tpu.memory_space<hbm>>
    %dma_start3A_524 = arith.constant 0 : i32
    %dma_start3A_525 = tpu.memref_slice %arg4[%add3A_518, %dma_start3A_524] : memref<8192x1024xf32, #tpu.memory_space<hbm>> -> memref<16x1024xf32, #tpu.memory_space<hbm>>
    %dma_start3A_526 = arith.constant 0 : i32
    %dma_start3A_527 = arith.constant 0 : i32
    %dma_start3A_528 = tpu.memref_slice %arg8[%dma_start3A_526, %dma_start3A_527] : memref<16x1024xf32, #tpu.memory_space<vmem>> -> memref<16x1024xf32, #tpu.memory_space<vmem>>
    tpu.enqueue_dma source(%dma_start3A_528 : memref<16x1024xf32, #tpu.memory_space<vmem>>) target(%dma_start3A_525 : memref<16x1024xf32, #tpu.memory_space<hbm>>) target_semaphore(%arg20 : memref<!tpu.dma_semaphore, #tpu.memory_space<semaphore_mem>>)
    %dma_wait3A_529 = arith.constant 0 : i32
    %dma_wait3A_530 = arith.constant 0 : i32
    %dma_wait3A_531 = tpu.memref_slice %arg9[%dma_wait3A_529, %dma_wait3A_530] : memref<16x1024xf32, #tpu.memory_space<vmem>> -> memref<16x1024xf32, #tpu.memory_space<vmem>>
    %dma_wait3A_532 = arith.constant 240 : i32
    %dma_wait3A_533 = tpu.memref_slice %arg5[%dma_wait3A_532] : memref<256xi32, #tpu.memory_space<vmem>> -> memref<16xi32, #tpu.memory_space<vmem>>
    %dma_wait3A_534 = arith.constant 0 : i32
    %dma_wait3A_535 = arith.constant 0 : i32
    %dma_wait3A_536 = tpu.memref_slice %arg2[%dma_wait3A_534, %dma_wait3A_535] : memref<16384x1024xf32, #tpu.memory_space<hbm>> -> memref<16384x1024xf32, #tpu.memory_space<hbm>>
    tpu.wait_indirect_dma semaphore(%arg15 : memref<!tpu.dma_semaphore, #tpu.memory_space<semaphore_mem>>) src(%dma_wait3A_536 : memref<16384x1024xf32, #tpu.memory_space<hbm>>) dst(%dma_wait3A_531 : memref<16x1024xf32, #tpu.memory_space<vmem>>)
    %add3A_537 = arith.constant 240 : i32
    %add3A_538 = arith.addi %mul3A_2, %add3A_537 : i32
    %dma_start3A_539 = arith.constant 0 : i32
    %dma_start3A_540 = arith.constant 0 : i32
    %dma_start3A_541 = tpu.memref_slice %arg9[%dma_start3A_539, %dma_start3A_540] : memref<16x1024xf32, #tpu.memory_space<vmem>> -> memref<16x1024xf32, #tpu.memory_space<vmem>>
    %dma_start3A_542 = arith.constant 0 : i32
    %dma_start3A_543 = tpu.memref_slice %arg4[%add3A_538, %dma_start3A_542] : memref<8192x1024xf32, #tpu.memory_space<hbm>> -> memref<16x1024xf32, #tpu.memory_space<hbm>>
    %dma_start3A_544 = arith.constant 0 : i32
    %dma_start3A_545 = tpu.memref_slice %arg4[%add3A_538, %dma_start3A_544] : memref<8192x1024xf32, #tpu.memory_space<hbm>> -> memref<16x1024xf32, #tpu.memory_space<hbm>>
    %dma_start3A_546 = arith.constant 0 : i32
    %dma_start3A_547 = arith.constant 0 : i32
    %dma_start3A_548 = tpu.memref_slice %arg9[%dma_start3A_546, %dma_start3A_547] : memref<16x1024xf32, #tpu.memory_space<vmem>> -> memref<16x1024xf32, #tpu.memory_space<vmem>>
    tpu.enqueue_dma source(%dma_start3A_548 : memref<16x1024xf32, #tpu.memory_space<vmem>>) target(%dma_start3A_545 : memref<16x1024xf32, #tpu.memory_space<hbm>>) target_semaphore(%arg21 : memref<!tpu.dma_semaphore, #tpu.memory_space<semaphore_mem>>)
    %dma_wait3A_549 = arith.constant 0 : i32
    %dma_wait3A_550 = arith.constant 0 : i32
    %dma_wait3A_551 = tpu.memref_slice %arg6[%dma_wait3A_549, %dma_wait3A_550] : memref<16x1024xf32, #tpu.memory_space<vmem>> -> memref<16x1024xf32, #tpu.memory_space<vmem>>
    %dma_wait3A_552 = arith.constant 0 : i32
    %dma_wait3A_553 = tpu.memref_slice %arg4[%add3A_478, %dma_wait3A_552] : memref<8192x1024xf32, #tpu.memory_space<hbm>> -> memref<16x1024xf32, #tpu.memory_space<hbm>>
    %dma_wait3A_554 = arith.constant 0 : i32
    %dma_wait3A_555 = tpu.memref_slice %arg4[%add3A_478, %dma_wait3A_554] : memref<8192x1024xf32, #tpu.memory_space<hbm>> -> memref<16x1024xf32, #tpu.memory_space<hbm>>
    %dma_wait3A_556 = arith.constant 0 : i32
    %dma_wait3A_557 = arith.constant 0 : i32
    %dma_wait3A_558 = tpu.memref_slice %arg6[%dma_wait3A_556, %dma_wait3A_557] : memref<16x1024xf32, #tpu.memory_space<vmem>> -> memref<16x1024xf32, #tpu.memory_space<vmem>>
    tpu.wait_dma2 semaphore(%arg18 : memref<!tpu.dma_semaphore, #tpu.memory_space<semaphore_mem>>) src(%dma_wait3A_558 : memref<16x1024xf32, #tpu.memory_space<vmem>>) dst(%dma_wait3A_555 : memref<16x1024xf32, #tpu.memory_space<hbm>>)
    %dma_wait3A_559 = arith.constant 0 : i32
    %dma_wait3A_560 = arith.constant 0 : i32
    %dma_wait3A_561 = tpu.memref_slice %arg7[%dma_wait3A_559, %dma_wait3A_560] : memref<16x1024xf32, #tpu.memory_space<vmem>> -> memref<16x1024xf32, #tpu.memory_space<vmem>>
    %dma_wait3A_562 = arith.constant 0 : i32
    %dma_wait3A_563 = tpu.memref_slice %arg4[%add3A_498, %dma_wait3A_562] : memref<8192x1024xf32, #tpu.memory_space<hbm>> -> memref<16x1024xf32, #tpu.memory_space<hbm>>
    %dma_wait3A_564 = arith.constant 0 : i32
    %dma_wait3A_565 = tpu.memref_slice %arg4[%add3A_498, %dma_wait3A_564] : memref<8192x1024xf32, #tpu.memory_space<hbm>> -> memref<16x1024xf32, #tpu.memory_space<hbm>>
    %dma_wait3A_566 = arith.constant 0 : i32
    %dma_wait3A_567 = arith.constant 0 : i32
    %dma_wait3A_568 = tpu.memref_slice %arg7[%dma_wait3A_566, %dma_wait3A_567] : memref<16x1024xf32, #tpu.memory_space<vmem>> -> memref<16x1024xf32, #tpu.memory_space<vmem>>
    tpu.wait_dma2 semaphore(%arg19 : memref<!tpu.dma_semaphore, #tpu.memory_space<semaphore_mem>>) src(%dma_wait3A_568 : memref<16x1024xf32, #tpu.memory_space<vmem>>) dst(%dma_wait3A_565 : memref<16x1024xf32, #tpu.memory_space<hbm>>)
    %dma_wait3A_569 = arith.constant 0 : i32
    %dma_wait3A_570 = arith.constant 0 : i32
    %dma_wait3A_571 = tpu.memref_slice %arg8[%dma_wait3A_569, %dma_wait3A_570] : memref<16x1024xf32, #tpu.memory_space<vmem>> -> memref<16x1024xf32, #tpu.memory_space<vmem>>
    %dma_wait3A_572 = arith.constant 0 : i32
    %dma_wait3A_573 = tpu.memref_slice %arg4[%add3A_518, %dma_wait3A_572] : memref<8192x1024xf32, #tpu.memory_space<hbm>> -> memref<16x1024xf32, #tpu.memory_space<hbm>>
    %dma_wait3A_574 = arith.constant 0 : i32
    %dma_wait3A_575 = tpu.memref_slice %arg4[%add3A_518, %dma_wait3A_574] : memref<8192x1024xf32, #tpu.memory_space<hbm>> -> memref<16x1024xf32, #tpu.memory_space<hbm>>
    %dma_wait3A_576 = arith.constant 0 : i32
    %dma_wait3A_577 = arith.constant 0 : i32
    %dma_wait3A_578 = tpu.memref_slice %arg8[%dma_wait3A_576, %dma_wait3A_577] : memref<16x1024xf32, #tpu.memory_space<vmem>> -> memref<16x1024xf32, #tpu.memory_space<vmem>>
    tpu.wait_dma2 semaphore(%arg20 : memref<!tpu.dma_semaphore, #tpu.memory_space<semaphore_mem>>) src(%dma_wait3A_578 : memref<16x1024xf32, #tpu.memory_space<vmem>>) dst(%dma_wait3A_575 : memref<16x1024xf32, #tpu.memory_space<hbm>>)
    %dma_wait3A_579 = arith.constant 0 : i32
    %dma_wait3A_580 = arith.constant 0 : i32
    %dma_wait3A_581 = tpu.memref_slice %arg9[%dma_wait3A_579, %dma_wait3A_580] : memref<16x1024xf32, #tpu.memory_space<vmem>> -> memref<16x1024xf32, #tpu.memory_space<vmem>>
    %dma_wait3A_582 = arith.constant 0 : i32
    %dma_wait3A_583 = tpu.memref_slice %arg4[%add3A_538, %dma_wait3A_582] : memref<8192x1024xf32, #tpu.memory_space<hbm>> -> memref<16x1024xf32, #tpu.memory_space<hbm>>
    %dma_wait3A_584 = arith.constant 0 : i32
    %dma_wait3A_585 = tpu.memref_slice %arg4[%add3A_538, %dma_wait3A_584] : memref<8192x1024xf32, #tpu.memory_space<hbm>> -> memref<16x1024xf32, #tpu.memory_space<hbm>>
    %dma_wait3A_586 = arith.constant 0 : i32
    %dma_wait3A_587 = arith.constant 0 : i32
    %dma_wait3A_588 = tpu.memref_slice %arg9[%dma_wait3A_586, %dma_wait3A_587] : memref<16x1024xf32, #tpu.memory_space<vmem>> -> memref<16x1024xf32, #tpu.memory_space<vmem>>
    tpu.wait_dma2 semaphore(%arg21 : memref<!tpu.dma_semaphore, #tpu.memory_space<semaphore_mem>>) src(%dma_wait3A_588 : memref<16x1024xf32, #tpu.memory_space<vmem>>) dst(%dma_wait3A_585 : memref<16x1024xf32, #tpu.memory_space<hbm>>)
    %dma_wait3A_589 = arith.constant 0 : i32
    %dma_wait3A_590 = arith.constant 0 : i32
    %dma_wait3A_591 = tpu.memref_slice %arg10[%dma_wait3A_589, %dma_wait3A_590] : memref<16x1024xf32, #tpu.memory_space<vmem>> -> memref<16x1024xf32, #tpu.memory_space<vmem>>
    %dma_wait3A_592 = arith.constant 0 : i32
    %dma_wait3A_593 = tpu.memref_slice %arg4[%add3A_420, %dma_wait3A_592] : memref<8192x1024xf32, #tpu.memory_space<hbm>> -> memref<16x1024xf32, #tpu.memory_space<hbm>>
    %dma_wait3A_594 = arith.constant 0 : i32
    %dma_wait3A_595 = tpu.memref_slice %arg4[%add3A_420, %dma_wait3A_594] : memref<8192x1024xf32, #tpu.memory_space<hbm>> -> memref<16x1024xf32, #tpu.memory_space<hbm>>
    %dma_wait3A_596 = arith.constant 0 : i32
    %dma_wait3A_597 = arith.constant 0 : i32
    %dma_wait3A_598 = tpu.memref_slice %arg10[%dma_wait3A_596, %dma_wait3A_597] : memref<16x1024xf32, #tpu.memory_space<vmem>> -> memref<16x1024xf32, #tpu.memory_space<vmem>>
    tpu.wait_dma2 semaphore(%arg22 : memref<!tpu.dma_semaphore, #tpu.memory_space<semaphore_mem>>) src(%dma_wait3A_598 : memref<16x1024xf32, #tpu.memory_space<vmem>>) dst(%dma_wait3A_595 : memref<16x1024xf32, #tpu.memory_space<hbm>>)
    %dma_wait3A_599 = arith.constant 0 : i32
    %dma_wait3A_600 = arith.constant 0 : i32
    %dma_wait3A_601 = tpu.memref_slice %arg11[%dma_wait3A_599, %dma_wait3A_600] : memref<16x1024xf32, #tpu.memory_space<vmem>> -> memref<16x1024xf32, #tpu.memory_space<vmem>>
    %dma_wait3A_602 = arith.constant 0 : i32
    %dma_wait3A_603 = tpu.memref_slice %arg4[%add3A_458, %dma_wait3A_602] : memref<8192x1024xf32, #tpu.memory_space<hbm>> -> memref<16x1024xf32, #tpu.memory_space<hbm>>
    %dma_wait3A_604 = arith.constant 0 : i32
    %dma_wait3A_605 = tpu.memref_slice %arg4[%add3A_458, %dma_wait3A_604] : memref<8192x1024xf32, #tpu.memory_space<hbm>> -> memref<16x1024xf32, #tpu.memory_space<hbm>>
    %dma_wait3A_606 = arith.constant 0 : i32
    %dma_wait3A_607 = arith.constant 0 : i32
    %dma_wait3A_608 = tpu.memref_slice %arg11[%dma_wait3A_606, %dma_wait3A_607] : memref<16x1024xf32, #tpu.memory_space<vmem>> -> memref<16x1024xf32, #tpu.memory_space<vmem>>
    tpu.wait_dma2 semaphore(%arg23 : memref<!tpu.dma_semaphore, #tpu.memory_space<semaphore_mem>>) src(%dma_wait3A_608 : memref<16x1024xf32, #tpu.memory_space<vmem>>) dst(%dma_wait3A_605 : memref<16x1024xf32, #tpu.memory_space<hbm>>)
    return
  }
}

</mosaic_0001>

<sc_bundles>
// kernel: _gather.3.cloned.1.call-start
scs
__scs_entry_jumppad:
0x0: {  	(pc) =	sbr.rel $0x88, $3  }
0x1: {  	(tag) =	ssettag $0x0;
	lr =	simm.s32 $0x1  }
0x2: {  	[smem:$0x3F9F] =	sst lr;
	_ =	strace $0xD0000000  }
0x3: {  	_ = 	snop  }
0x4: {  	_ = 	snop  }
0x5: {  	_ = 	snop  }
0x6: {  	_ = 	snop  }
0x7: {  	_ = 	snop  }
__scs_overlays_trampoline_lowered:
0x8: {  	[smem:$0x3FAE] =	sst s0  }
0x9: {  	[smem:$0x3FAF] =	sst s1  }
0xa: {  	[smem:$0x3FB0] =	sst s2  }
0xb: {  	[smem:$0x3FB1] =	sst s3  }
0xc: {  	[smem:$0x3FB2] =	sst s4  }
0xd: {  	[smem:$0x3FB3] =	sst s5  }
0xe: {  	[smem:$0x3FB4] =	sst s6  }
0xf: {  	[smem:$0x3FB5] =	sst s7  }
0x10: {  	[smem:$0x3FB6] =	sst s8  }
0x11: {  	[smem:$0x3FB7] =	sst s9;
	s0 =	simm.s32 @!p0 $0x0  }
0x12: {  	s1 =	sld [smem:$0x3F9D];
	s0 =	simm.s32 @p0 $0x1  }
0x13: {  	[smem:$0x3FB8] =	sst s0;
	s0 =	simm.s32 @!p1 $0x0  }
0x14: {  	s2 =	sld [smem:$0x3F9C];
	s0 =	simm.s32 @p1 $0x1  }
0x15: {  	[smem:$0x3FB9] =	sst s0;
	s0 =	simm.s32 @!p2 $0x0  }
0x16: {  	s3 =	sld [smem:$0x3FDB];
	s0 =	simm.s32 @p2 $0x1  }
0x17: {  	s4 =	simm.s32 $0x1BF5;
	[smem:$0x3FBB] =	sst s0  }
0x18: {  	s0 =	sld [smem:$0x3F9E];
	_ =	swait.ge [sflag:s4], $0x0  }
0x19: {  	s7 =	sld [smem:$0x3F9F]  }
0x1a: {  	s8 =	sadd.s32 $0xFFFFE003, lr  }
0x1b: {  	s9 =	sadd.s32 $0xFFFFFEF7, lr;
	s5 =	simm.s32 $0xFFFFFFFF;
	p2 =	slt.u32 s8, $0xFFFFF086  }
0x1c: {  	p1 =	slt.u32 s9, $0xF7A;
	s5 =	simm.s32 @!p2 $0x0  }
0x1d: {  	s5 =	simm.s32 @p1 $0x1;
	p0 =	seq.s32 s7, s2  }
0x1e: {  	s7 =	smul.u32 @!p0 $0xF7A, s2;
	p2 =	seq.s32 @!p0 s5, $0x0  }
0x1f: {  	s9 =	smul.u32 $0xF7A, s1;
	s8 =	simm.s32 @!p0 $0x1BF5;
	p2 =	por !p2, p0  }
0x20: {  	[sflag:s8] =	ssyncset.s32 @!p0 $0xFFFFF086;
	s6 =	sadd.s32 @!p0 s3, s7;
	s7 =	simm.s32 @!p0 $0x108  }
0x21: {  	s3 =	sadd.s32 s3, s9;
	s6 =	sadd.s32 @!p0 $0x88, s6;
	s7 =	simm.s32 @p2 $0x1082  }
0x22: {  	[simem:s7], [sflag:s8] =	dma.local @!p0 [hbm:s6], $0xF7A  }
0x23: {  	s9 =	sor.u32 $0xD0000000, s2;
	s6 =	simm.s32 $0x108;
	_ =	swait.ge @!p0 [sflag:s8], $0x0  }
0x24: {  	s3 =	sadd.s32 $0x88, s3;
	s6 =	simm.s32 @!p1 $0x1082;
	[sflag:s4] =	ssyncset.s32 $0xFFFFF086  }
0x25: {  	[simem:s6], [sflag:s4] =	dma.local [hbm:s3], $0xF7A  }
0x26: {  	[smem:$0x3F9F] =	sst s1;
	(tag) =	ssettag s2;
	_ =	strace s9  }
0x27: {  	s1 =	sld [smem:$0x3FAF]  }
0x28: {  	s2 =	sld [smem:$0x3FB0]  }
0x29: {  	s4 =	sld [smem:$0x3FB2]  }
0x2a: {  	p0 =	seq.s32 s5, $0x0;
	s5 =	sld [smem:$0x3FB3]  }
0x2b: {  	s6 =	sld [smem:$0x3FB4]  }
0x2c: {  	s7 =	sld [smem:$0x3FB5]  }
0x2d: {  	s3 =	simm.s32 $0x108;
	s8 =	sld [smem:$0x3FB6]  }
0x2e: {  	s3 =	simm.s32 @!p0 $0x1082;
	s9 =	sld [smem:$0x3FB7]  }
0x2f: {  	lr =	sadd.s32 s0, s3;
	s0 =	sld [smem:$0x3FAE]  }
0x30: {  	s3 =	sld [smem:$0x3FB1]  }
0x31: {  	[smem:$0x3FBA] =	sst s10  }
0x32: {  	s10 =	sld [smem:$0x3FB8];
	_ =	sdelay $0x3  }
0x33: {  	p0 =	seq.s32 s10, $0x1;
	s10 =	sld [smem:$0x3FBA];
	_ =	sdelay $0x3  }
0x34: {  	[smem:$0x3FBA] =	sst s10  }
0x35: {  	s10 =	sld [smem:$0x3FB9];
	_ =	sdelay $0x3  }
0x36: {  	p1 =	seq.s32 s10, $0x1;
	s10 =	sld [smem:$0x3FBA];
	_ =	sdelay $0x3  }
0x37: {  	[smem:$0x3FBA] =	sst s10  }
0x38: {  	s10 =	sld [smem:$0x3FBB]  }
0x39: {  	_ = 	snop;
	(pc) =	sbr.ind lr, $3  }
0x3a: {  	_ = 	snop  }
0x3b: {  	_ = 	snop  }
0x3c: {  	p2 =	seq.s32 s10, $0x1;
	s10 =	sld [smem:$0x3FBA]  }
0x3d: {  	_ =	shalt  }
0x3e: {  	_ =	shalt  }
0x3f: {  	_ =	shalt  }
0x40: {  	_ =	shalt  }
0x41: {  	_ =	shalt  }
0x42: {  	_ =	shalt  }
0x43: {  	_ =	shalt  }
0x44: {  	_ =	shalt  }
0x45: {  	_ =	shalt  }
0x46: {  	_ =	shalt  }
0x47: {  	_ =	shalt  }
0x48: {  	_ =	shalt  }
0x49: {  	_ =	shalt  }
0x4a: {  	_ =	shalt  }
0x4b: {  	_ =	shalt  }
0x4c: {  	_ =	shalt  }
0x4d: {  	_ =	shalt  }
0x4e: {  	_ =	shalt  }
0x4f: {  	_ =	shalt  }
0x50: {  	_ =	shalt  }
0x51: {  	_ =	shalt  }
0x52: {  	_ =	shalt  }
0x53: {  	_ =	shalt  }
0x54: {  	_ =	shalt  }
0x55: {  	_ =	shalt  }
0x56: {  	_ =	shalt  }
0x57: {  	_ =	shalt  }
0x58: {  	_ =	shalt  }
0x59: {  	_ =	shalt  }
0x5a: {  	_ =	shalt  }
0x5b: {  	_ =	shalt  }
0x5c: {  	_ =	shalt  }
0x5d: {  	_ =	shalt  }
0x5e: {  	_ =	shalt  }
0x5f: {  	_ =	shalt  }
0x60: {  	_ =	shalt  }
0x61: {  	_ =	shalt  }
0x62: {  	_ =	shalt  }
0x63: {  	_ =	shalt  }
0x64: {  	_ =	shalt  }
0x65: {  	_ =	shalt  }
0x66: {  	_ =	shalt  }
0x67: {  	_ =	shalt  }
0x68: {  	_ =	shalt  }
0x69: {  	_ =	shalt  }
0x6a: {  	_ =	shalt  }
0x6b: {  	_ =	shalt  }
0x6c: {  	_ =	shalt  }
0x6d: {  	_ =	shalt  }
0x6e: {  	_ =	shalt  }
0x6f: {  	_ =	shalt  }
0x70: {  	_ =	shalt  }
0x71: {  	_ =	shalt  }
0x72: {  	_ =	shalt  }
0x73: {  	_ =	shalt  }
0x74: {  	_ =	shalt  }
0x75: {  	_ =	shalt  }
0x76: {  	_ =	shalt  }
0x77: {  	_ =	shalt  }
0x78: {  	_ =	shalt  }
0x79: {  	_ =	shalt  }
0x7a: {  	_ =	shalt  }
0x7b: {  	_ =	shalt  }
0x7c: {  	_ =	shalt  }
0x7d: {  	_ =	shalt  }
0x7e: {  	_ =	shalt  }
0x7f: {  	_ =	shalt  }
0x80: {  	_ =	shalt  }
0x81: {  	_ =	shalt  }
0x82: {  	_ =	shalt  }
0x83: {  	_ =	shalt  }
0x84: {  	_ =	shalt  }
0x85: {  	_ =	shalt  }
0x86: {  	_ =	shalt  }
0x87: {  	_ =	shalt  }
.Lfunc_end0:
.L_simem_size_0:
called_computation_lowered:
.L_overlay_start_0:
0x88: {  	s2 =	sld [smem:$0x3FD9]  }
0x89: {  	s3 =	sld [smem:$0x3FFE];
	_ =	sdelay $0x1  }
0x8a: {  	s1 =	srdreg.scid  }
0x8b: {  	s0 =	sand.u32 $0x1, s1  }
0x8c: {  	s18 =	sshll.u32 s0, $0xA;
	s2 =	sadd.s32 s3, s2  }
0x8d: {  	s2 =	sadd.s32 s2, s18  }
0x8e: {  	[smem:$0x3FC6] =	sst s2  }
0x8f: {  	_ = 	snop  }
0x90: {  	s2 =	sld [smem:$0x3FC9]  }
0x91: {  	s19 =	sld [smem:$0x3FC8]  }
0x92: {  	s4 =	sld [smem:$0x3FD0];
	(tm) =	ssettm $0x1  }
0x93: {  	s5 =	sld [smem:$0x3FFB];
	_ =	sdelay $0x3  }
0x94: {  	_ =	strace s5  }
0x95: {  	s5 =	sld [smem:$0x3FFC];
	_ =	sdelay $0x3  }
0x96: {  	_ =	strace s5  }
0x97: {  	s5 =	sld [smem:$0x3FFD];
	_ =	sdelay $0x3  }
0x98: {  	_ =	strace s5  }
0x99: {  	_ =	strace $0x8FFFFFFF  }
0x9a: {  	s20 =	sld [smem:$0x3FDB];
	_ =	sdelay $0x1  }
0x9b: {  	s6 =	simm.s32 $_scs_section_size  }
0x9c: {  	s7 =	simm.s32 $_size__tile_overlayer_lowered;
	s8 =	simm.s32 $_tile_overlayer_lowered  }
0x9d: {  	s23 =	simm.s32 $0x1BFF;
	s22 =	sshll.u32 s8, $0x1;
	s5 =	sadd.s32 s6, s20  }
0x9e: {  	s9 =	simm.s32 $0x0;
	s21 =	sshll.u32 s7, $0x1;
	s7 =	sadd.s32 s22, s5  }
0x9f: {  	[timem:s9], [sflag:s23] =	dma.local [hbm:s7], s21  }
0xa0: {  	_ =	swait.ge [sflag:s23], s21  }
0xa1: {  	s6 =	ssub.s32 $0x0, s21;
	[sflag:s23] =	ssyncset.done $0x0  }
0xa2: {  	[sflag:s23] =	ssyncadd.s32 s6;
	_ =	sdelay $0x1  }
0xa3: {  	s24 =	simm.s32 $0x1B8B  }
0xa4: {  	_ =	swait.ge [sflag:s24], $0x1  }
0xa5: {  	[sflag:s24] =	ssyncset.done $0x0  }
0xa6: {  	s25 =	simm.s32 $0x1B8E;
	[sflag:s24] =	ssyncadd.s32 $0xFFFFFFFF  }
0xa7: {  	s26 =	simm.s32 $execute0_lowered;
	[smem:$0x3FD2] =	sst s25  }
0xa8: {  	s6 =	sshll.u32 s26, $0x1;
	_ =	strace $0x80000046;
	[dreg:$0x1] =	wrdreg $0xFFFFFFFF  }
0xa9: {  	s28 =	simm.s32 $_size_execute0_lowered;
	s5 =	sadd.s32 s5, s6;
	[dreg:$0x0] =	wrdreg $0x0  }
0xaa: {  	s6 =	sshll.u32 s28, $0x1;
	[dreg:$0x2] =	wrdreg s5  }
0xab: {  	[dreg:$0x3] =	wrdreg s6  }
0xac: {  	[dreg:$0x4] =	wrdreg $0xC0  }
0xad: {  	_ =	task [dreg:s9], $0x5FFFF  }
0xae: {  	[dreg:$0x1] =	wrdreg $0xFFFFFFFF  }
0xaf: {  	[dreg:$0x0] =	wrdreg $0x60  }
0xb0: {  	[dreg:$0x2] =	wrdreg s2  }
0xb1: {  	[dreg:$0x3] =	wrdreg s19  }
0xb2: {  	[dreg:$0x4] =	wrdreg s4  }
0xb3: {  	[dreg:$0x5] =	wrdreg $0x9  }
0xb4: {  	_ =	task.clear_ibuf [dreg:s9], $0x6FFFF;
	_ =	strace $0x90000046  }
0xb5: {  	s29 =	simm.s32 $0x9;
	_ =	strace $0x80000048  }
0xb6: {  	_ =	swait.ge [sflag:s29], $0x1  }
0xb7: {  	[sflag:s29] =	ssyncadd.s32 $0xFFFFFFFF  }
0xb8: {  	_ =	strace $0x90000048  }
0xb9: {  	_ =	sfence  }
0xba: {  	s30 =	sld [smem:$0x0];
	_ =	sdelay $0x2  }
0xbb: {  	s31 =	sshll.u32 s1, $0xD;
	s1 =	sshrl.u32 s1, $0x2  }
0xbc: {  	s3 =	sand.u32 $0x4000, s31;
	s1 =	sadd.s32 s1, s30  }
0xbd: {  	s0 =	sor.u32 s3, s0;
	s1 =	sshll.u32 s1, $0x11  }
0xbe: {  	s0 =	sor.u32 s1, s0  }
0xbf: {  	s0 =	sadd.s32 $0x8F2B, s0  }
0xc0: {  	[sflag:s0] =	ssyncadd.remote.s32 $0x1  }
0xc1: {  	_ =	sfence.sel $0xFFFF  }
0xc2: {  	[dreg:$0x0] =	wrdreg $0xFFFFFFFF;
	(pc) =	sbr.abs _section_cstart, $3  }
0xc3: {  	[dreg:$0x1] =	wrdreg $0xFFFFFFFF  }
0xc4: {  	_ =	task.clear_ibuf [dreg:s9], $0x2FFFF;
	_ =	strace $0x9FFFFFFF  }
0xc5: {  	(tm) =	ssettm $0x7FFFFFFF  }
tec
execute0_lowered:
.L_overlay_start_1:
0x0: {  	(tag) =	ssettag $0x1  }
0x1: {  	s0 =	srdreg.scid  }
0x2: {  	s3 =	stileid.u32;
	s0 =	sand.u32 $0x1, s0  }
0x3: {  	s1 =	rddreg [dreg:$0x0];
	s5 =	sshll.u32 s3, $0x9;
	s6 =	sshll.u32 s0, $0x8  }
0x4: {  	s2 =	rddreg [dreg:$0x1];
	s5 =	sor.u32 s6, s5  }
0x5: {  	s4 =	rddreg [dreg:$0x2];
	s3 =	simm.s32 $0x0;
	s6 =	sshrl.u32 s5, $0x3  }
0x6: {  	[smem:$0x7FF] =	sst s3;
	s5 =	sshll.u32 s5, $0x7;
	s2 =	sadd.s32 s2, s6  }
0x7: {  	_ =	strace $0x80000047;
	s8 =	sadd.s32 s4, s5;
	[dreg:$0x4] =	wrdreg s2  }
0x8: {  	s11 =	sadd.s32 $0x800, s8;
	[dreg:$0x14] =	wrdreg s8  }
0x9: {  	s12 =	sadd.s32 $0x1000, s8;
	[dreg:$0x5] =	wrdreg s11  }
0xa: {  	s28 =	simm.s32 $0x4;
	s13 =	sadd.s32 $0x1800, s8;
	[dreg:$0x6] =	wrdreg s12  }
0xb: {  	s29 =	simm.s32 $0x9;
	s14 =	sadd.s32 $0x2000, s8;
	[dreg:$0x7] =	wrdreg s13  }
0xc: {  	s31 =	simm.s32 $0xA;
	s15 =	sadd.s32 $0x2800, s8;
	[dreg:$0x8] =	wrdreg s14  }
0xd: {  	s30 =	simm.s32 $0x8100;
	s16 =	sadd.s32 $0x3000, s8;
	[dreg:$0x9] =	wrdreg s15  }
0xe: {  	s9 =	simm.s32 $0xC100;
	s17 =	sadd.s32 $0x3800, s8;
	[dreg:$0xa] =	wrdreg s16  }
0xf: {  	s10 =	simm.s32 $0x10100;
	s18 =	sadd.s32 $0x4000, s8;
	[dreg:$0xb] =	wrdreg s17  }
0x10: {  	s7 =	sadd.s32 $0x300, s1;
	s19 =	sadd.s32 $0x4800, s8;
	[dreg:$0xc] =	wrdreg s18  }
0x11: {  	s0 =	ssub.s32 $0x2, s0;
	s20 =	sadd.s32 $0x5000, s8;
	[dreg:$0xd] =	wrdreg s19  }
0x12: {  	s21 =	sshrl.u32 s0, $0x1;
	s22 =	sadd.s32 $0x5800, s8;
	[dreg:$0xe] =	wrdreg s20  }
0x13: {  	s0 =	ssub.s32 s0, s21;
	s23 =	sadd.s32 $0x6000, s8;
	[dreg:$0xf] =	wrdreg s22  }
0x14: {  	s21 =	simm.s32 $0x10900;
	s24 =	sadd.s32 $0x6800, s8;
	[dreg:$0x10] =	wrdreg s23  }
0x15: {  	s5 =	sadd.s32 $0x100, s1;
	s25 =	sadd.s32 $0x7000, s8;
	[dreg:$0x11] =	wrdreg s24  }
0x16: {  	s6 =	sadd.s32 $0x200, s1;
	s26 =	sadd.s32 $0x7800, s8;
	[dreg:$0x12] =	wrdreg s25  }
0x17: {  	s8 =	smax.u32 s0, $0x1;
	[dreg:$0x13] =	wrdreg s26;
	s20 =	simm.s32 $0x1  }
0x18: {  	s22 =	simm.s32 $0x2;
	s23 =	simm.s32 $0x7;
	s24 =	simm.s32 $0x3  }
0x19: {  	v2 =	vlaneseq.u32;
	s25 =	simm.s32 $0x8;
	s18 =	simm.s32 $0x100;
	s26 =	simm.s32 $0x4100  }
0x1a: {  	vm0 =	vmmov $0xffff;
	v1 =	vshrl.u32 v2, $0x3;
	s16 =	simm.s32 $0x11100;
	s17 =	simm.s32 $0x11900;
	s13 =	simm.s32 $0x12900  }
0x1b: {  	v0 =	vand.u32 $0x7, v2;
	v2 =	vor.u32 $0x8, v2;
	v1 =	vmul.u32 $0x8, v1;
	s14 =	simm.s32 $0x13100;
	s15 =	simm.s32 $0x13900;
	s19 =	simm.s32 $0x14100  }
.LBB2_1:
0x1c: {  	s11 =	rddreg [dreg:$0x4];
	s4 =	simm.s32 $0xD  }
0x1d: {  	[tilespmem:s3], [sflag:$0xD] =	stream.linear.gather [hbm4b:s11+s3], $0x100, $0x38;
	[tilespmem:$0x18100] =	vst v63  }
0x1e: {  	_ =	swait.ge [sflag:s4], $0x100  }
0x1f: {  	[sflag:s4] =	ssyncset.done $0x0  }
0x20: {  	[sflag:s4] =	ssyncadd.s32 $0xFFFFFF00  }
0x21: {  	v3 =	vld [tilespmem:$0x0];
	_ =	sdelay $0x4  }
0x22: {  	v4 =	vshll.u32 v3, $0x3  }
0x23: {  	v3 =	vand.u32 $0x7, v3;
	v4 =	vand.u32 $0xFFFFFFC0, v4  }
0x24: {  	v3 =	vor.u32 v3, v4  }
0x25: {  	v4 =	vperm.xlane v3, v0;
	_ =	sdelay $0x1  }
0x26: {  	v4 =	vadd.s32 v1, v4;
	_ =	sdelay $0x4  }
0x27: {  	[tilespmem:s18], [sflag:$0x1] =	stream.indirect_vreg.gather [hbm4b:s1+s3], $0x80, v4, vm0, $0xb8;
	[tilespmem:$0x18100] =	vst v63  }
0x28: {  	s0 =	simm.s32 $0x900;
	v3 =	vperm.xlane v3, v2  }
0x29: {  	[tilespmem:s0], [sflag:$0x1] =	stream.indirect_vreg.gather [hbm4b:s5+s3], $0x80, v4, vm0, $0xb8;
	[tilespmem:$0x18100] =	vst v63  }
0x2a: {  	s12 =	simm.s32 $0x1100;
	v3 =	vadd.s32 v1, v3  }
0x2b: {  	[tilespmem:s12], [sflag:$0x1] =	stream.indirect_vreg.gather [hbm4b:s6+s3], $0x80, v4, vm0, $0xb8;
	[tilespmem:$0x18100] =	vst v63  }
0x2c: {  	s4 =	simm.s32 $0x1900  }
0x2d: {  	[tilespmem:s4], [sflag:$0x1] =	stream.indirect_vreg.gather [hbm4b:s7+s3], $0x80, v4, vm0, $0xb8;
	[tilespmem:$0x18100] =	vst v63  }
0x2e: {  	s11 =	simm.s32 $0x2100  }
0x2f: {  	[tilespmem:s11], [sflag:$0x1] =	stream.indirect_vreg.gather [hbm4b:s1+s3], $0x80, v3, vm0, $0xb8;
	[tilespmem:$0x18100] =	vst v63  }
0x30: {  	s12 =	simm.s32 $0x2900  }
0x31: {  	[tilespmem:s12], [sflag:$0x1] =	stream.indirect_vreg.gather [hbm4b:s5+s3], $0x80, v3, vm0, $0xb8;
	[tilespmem:$0x18100] =	vst v63  }
0x32: {  	s4 =	simm.s32 $0x3100  }
0x33: {  	[tilespmem:s4], [sflag:$0x1] =	stream.indirect_vreg.gather [hbm4b:s6+s3], $0x80, v3, vm0, $0xb8;
	[tilespmem:$0x18100] =	vst v63  }
0x34: {  	s11 =	simm.s32 $0x3900  }
0x35: {  	[tilespmem:s11], [sflag:$0x1] =	stream.indirect_vreg.gather [hbm4b:s7+s3], $0x80, v3, vm0, $0xb8;
	[tilespmem:$0x18100] =	vst v63  }
0x36: {  	v3 =	vld [tilespmem:$0x10];
	_ =	sdelay $0x4  }
0x37: {  	v49 =	vshll.u32 v3, $0x3  }
0x38: {  	v3 =	vand.u32 $0x7, v3;
	v4 =	vand.u32 $0xFFFFFFC0, v49  }
0x39: {  	v3 =	vor.u32 v3, v4  }
0x3a: {  	v4 =	vperm.xlane v3, v0;
	_ =	sdelay $0x1  }
0x3b: {  	v4 =	vadd.s32 v1, v4;
	_ =	sdelay $0x4  }
0x3c: {  	[tilespmem:s26], [sflag:$0x2] =	stream.indirect_vreg.gather [hbm4b:s1+s3], $0x80, v4, vm0, $0xb8;
	[tilespmem:$0x18100] =	vst v63  }
0x3d: {  	s12 =	simm.s32 $0x4900;
	v3 =	vperm.xlane v3, v2  }
0x3e: {  	[tilespmem:s12], [sflag:$0x2] =	stream.indirect_vreg.gather [hbm4b:s5+s3], $0x80, v4, vm0, $0xb8;
	[tilespmem:$0x18100] =	vst v63  }
0x3f: {  	s11 =	simm.s32 $0x5100;
	v3 =	vadd.s32 v1, v3  }
0x40: {  	[tilespmem:s11], [sflag:$0x2] =	stream.indirect_vreg.gather [hbm4b:s6+s3], $0x80, v4, vm0, $0xb8;
	[tilespmem:$0x18100] =	vst v63  }
0x41: {  	s12 =	simm.s32 $0x5900  }
0x42: {  	[tilespmem:s12], [sflag:$0x2] =	stream.indirect_vreg.gather [hbm4b:s7+s3], $0x80, v4, vm0, $0xb8;
	[tilespmem:$0x18100] =	vst v63  }
0x43: {  	s11 =	simm.s32 $0x6100  }
0x44: {  	[tilespmem:s11], [sflag:$0x2] =	stream.indirect_vreg.gather [hbm4b:s1+s3], $0x80, v3, vm0, $0xb8;
	[tilespmem:$0x18100] =	vst v63  }
0x45: {  	s12 =	simm.s32 $0x6900  }
0x46: {  	[tilespmem:s12], [sflag:$0x2] =	stream.indirect_vreg.gather [hbm4b:s5+s3], $0x80, v3, vm0, $0xb8;
	[tilespmem:$0x18100] =	vst v63  }
0x47: {  	s11 =	simm.s32 $0x7100  }
0x48: {  	[tilespmem:s11], [sflag:$0x2] =	stream.indirect_vreg.gather [hbm4b:s6+s3], $0x80, v3, vm0, $0xb8;
	[tilespmem:$0x18100] =	vst v63  }
0x49: {  	s12 =	simm.s32 $0x7900  }
0x4a: {  	[tilespmem:s12], [sflag:$0x2] =	stream.indirect_vreg.gather [hbm4b:s7+s3], $0x80, v3, vm0, $0xb8;
	[tilespmem:$0x18100] =	vst v63  }
0x4b: {  	v3 =	vld [tilespmem:$0x20];
	_ =	sdelay $0x4  }
0x4c: {  	v50 =	vshll.u32 v3, $0x3  }
0x4d: {  	v3 =	vand.u32 $0x7, v3;
	v4 =	vand.u32 $0xFFFFFFC0, v50  }
0x4e: {  	v3 =	vor.u32 v3, v4  }
0x4f: {  	v4 =	vperm.xlane v3, v0;
	_ =	sdelay $0x1  }
0x50: {  	v4 =	vadd.s32 v1, v4;
	_ =	sdelay $0x4  }
0x51: {  	[tilespmem:s30], [sflag:$0x3] =	stream.indirect_vreg.gather [hbm4b:s1+s3], $0x80, v4, vm0, $0xb8;
	[tilespmem:$0x18100] =	vst v63  }
0x52: {  	s11 =	simm.s32 $0x8900;
	v3 =	vperm.xlane v3, v2  }
0x53: {  	[tilespmem:s11], [sflag:$0x3] =	stream.indirect_vreg.gather [hbm4b:s5+s3], $0x80, v4, vm0, $0xb8;
	[tilespmem:$0x18100] =	vst v63  }
0x54: {  	s12 =	simm.s32 $0x9100;
	v3 =	vadd.s32 v1, v3  }
0x55: {  	[tilespmem:s12], [sflag:$0x3] =	stream.indirect_vreg.gather [hbm4b:s6+s3], $0x80, v4, vm0, $0xb8;
	[tilespmem:$0x18100] =	vst v63  }
0x56: {  	s11 =	simm.s32 $0x9900  }
0x57: {  	[tilespmem:s11], [sflag:$0x3] =	stream.indirect_vreg.gather [hbm4b:s7+s3], $0x80, v4, vm0, $0xb8;
	[tilespmem:$0x18100] =	vst v63  }
0x58: {  	s12 =	simm.s32 $0xA100  }
0x59: {  	[tilespmem:s12], [sflag:$0x3] =	stream.indirect_vreg.gather [hbm4b:s1+s3], $0x80, v3, vm0, $0xb8;
	[tilespmem:$0x18100] =	vst v63  }
0x5a: {  	s11 =	simm.s32 $0xA900  }
0x5b: {  	[tilespmem:s11], [sflag:$0x3] =	stream.indirect_vreg.gather [hbm4b:s5+s3], $0x80, v3, vm0, $0xb8;
	[tilespmem:$0x18100] =	vst v63  }
0x5c: {  	s12 =	simm.s32 $0xB100  }
0x5d: {  	[tilespmem:s12], [sflag:$0x3] =	stream.indirect_vreg.gather [hbm4b:s6+s3], $0x80, v3, vm0, $0xb8;
	[tilespmem:$0x18100] =	vst v63  }
0x5e: {  	s11 =	simm.s32 $0xB900  }
0x5f: {  	[tilespmem:s11], [sflag:$0x3] =	stream.indirect_vreg.gather [hbm4b:s7+s3], $0x80, v3, vm0, $0xb8;
	[tilespmem:$0x18100] =	vst v63  }
0x60: {  	v3 =	vld [tilespmem:$0x30];
	_ =	sdelay $0x4  }
0x61: {  	v51 =	vshll.u32 v3, $0x3  }
0x62: {  	v3 =	vand.u32 $0x7, v3;
	v4 =	vand.u32 $0xFFFFFFC0, v51  }
0x63: {  	v3 =	vor.u32 v3, v4  }
0x64: {  	v4 =	vperm.xlane v3, v0;
	_ =	sdelay $0x1  }
0x65: {  	v4 =	vadd.s32 v1, v4;
	_ =	sdelay $0x4  }
0x66: {  	[tilespmem:s9], [sflag:$0x4] =	stream.indirect_vreg.gather [hbm4b:s1+s3], $0x80, v4, vm0, $0xb8;
	[tilespmem:$0x18100] =	vst v63  }
0x67: {  	s12 =	simm.s32 $0xC900;
	v3 =	vperm.xlane v3, v2  }
0x68: {  	[tilespmem:s12], [sflag:$0x4] =	stream.indirect_vreg.gather [hbm4b:s5+s3], $0x80, v4, vm0, $0xb8;
	[tilespmem:$0x18100] =	vst v63  }
0x69: {  	s11 =	simm.s32 $0xD100;
	v3 =	vadd.s32 v1, v3  }
0x6a: {  	[tilespmem:s11], [sflag:$0x4] =	stream.indirect_vreg.gather [hbm4b:s6+s3], $0x80, v4, vm0, $0xb8;
	[tilespmem:$0x18100] =	vst v63  }
0x6b: {  	s12 =	simm.s32 $0xD900  }
0x6c: {  	[tilespmem:s12], [sflag:$0x4] =	stream.indirect_vreg.gather [hbm4b:s7+s3], $0x80, v4, vm0, $0xb8;
	[tilespmem:$0x18100] =	vst v63  }
0x6d: {  	s11 =	simm.s32 $0xE100  }
0x6e: {  	[tilespmem:s11], [sflag:$0x4] =	stream.indirect_vreg.gather [hbm4b:s1+s3], $0x80, v3, vm0, $0xb8;
	[tilespmem:$0x18100] =	vst v63  }
0x6f: {  	s12 =	simm.s32 $0xE900  }
0x70: {  	[tilespmem:s12], [sflag:$0x4] =	stream.indirect_vreg.gather [hbm4b:s5+s3], $0x80, v3, vm0, $0xb8;
	[tilespmem:$0x18100] =	vst v63  }
0x71: {  	s11 =	simm.s32 $0xF100  }
0x72: {  	[tilespmem:s11], [sflag:$0x4] =	stream.indirect_vreg.gather [hbm4b:s6+s3], $0x80, v3, vm0, $0xb8;
	[tilespmem:$0x18100] =	vst v63  }
0x73: {  	s12 =	simm.s32 $0xF900  }
0x74: {  	[tilespmem:s12], [sflag:$0x4] =	stream.indirect_vreg.gather [hbm4b:s7+s3], $0x80, v3, vm0, $0xb8;
	[tilespmem:$0x18100] =	vst v63  }
0x75: {  	v3 =	vld [tilespmem:$0x40];
	_ =	sdelay $0x4  }
0x76: {  	v52 =	vshll.u32 v3, $0x3  }
0x77: {  	v3 =	vand.u32 $0x7, v3;
	v4 =	vand.u32 $0xFFFFFFC0, v52  }
0x78: {  	v3 =	vor.u32 v3, v4  }
0x79: {  	v4 =	vperm.xlane v3, v0;
	_ =	sdelay $0x1  }
0x7a: {  	v4 =	vadd.s32 v1, v4;
	_ =	sdelay $0x4  }
0x7b: {  	[tilespmem:s10], [sflag:$0x5] =	stream.indirect_vreg.gather [hbm4b:s1+s3], $0x80, v4, vm0, $0xb8;
	[tilespmem:$0x18100] =	vst v63  }
0x7c: {  	v3 =	vperm.xlane v3, v2  }
0x7d: {  	[tilespmem:s21], [sflag:$0x5] =	stream.indirect_vreg.gather [hbm4b:s5+s3], $0x80, v4, vm0, $0xb8;
	[tilespmem:$0x18100] =	vst v63  }
0x7e: {  	v3 =	vadd.s32 v1, v3  }
0x7f: {  	[tilespmem:s16], [sflag:$0x5] =	stream.indirect_vreg.gather [hbm4b:s6+s3], $0x80, v4, vm0, $0xb8;
	[tilespmem:$0x18100] =	vst v63  }
0x80: {  	_ = 	snop  }
0x81: {  	[tilespmem:s17], [sflag:$0x5] =	stream.indirect_vreg.gather [hbm4b:s7+s3], $0x80, v4, vm0, $0xb8;
	[tilespmem:$0x18100] =	vst v63  }
0x82: {  	s12 =	simm.s32 $0x12100  }
0x83: {  	[tilespmem:s12], [sflag:$0x5] =	stream.indirect_vreg.gather [hbm4b:s1+s3], $0x80, v3, vm0, $0xb8;
	[tilespmem:$0x18100] =	vst v63  }
0x84: {  	_ = 	snop  }
0x85: {  	[tilespmem:s13], [sflag:$0x5] =	stream.indirect_vreg.gather [hbm4b:s5+s3], $0x80, v3, vm0, $0xb8;
	[tilespmem:$0x18100] =	vst v63  }
0x86: {  	_ = 	snop  }
0x87: {  	[tilespmem:s14], [sflag:$0x5] =	stream.indirect_vreg.gather [hbm4b:s6+s3], $0x80, v3, vm0, $0xb8;
	[tilespmem:$0x18100] =	vst v63  }
0x88: {  	_ = 	snop  }
0x89: {  	[tilespmem:s15], [sflag:$0x5] =	stream.indirect_vreg.gather [hbm4b:s7+s3], $0x80, v3, vm0, $0xb8;
	[tilespmem:$0x18100] =	vst v63  }
0x8a: {  	_ =	swait.ge [sflag:s20], $0x4000  }
0x8b: {  	[sflag:s20] =	ssyncset.done $0x0  }
0x8c: {  	s0 =	rddreg [dreg:$0x14];
	[sflag:s20] =	ssyncadd.s32 $0xFFFFC000  }
0x8d: {  	[hbm4b:s0+s3] =	stream.linear.scatter [tilespmem:s18], [sflag:$0x7], $0x4000, $0x38;
	[tilespmem:$0x18100] =	vst v63  }
0x8e: {  	v3 =	vld [tilespmem:$0x50];
	_ =	sdelay $0x4  }
0x8f: {  	v53 =	vshll.u32 v3, $0x3  }
0x90: {  	v3 =	vand.u32 $0x7, v3;
	v4 =	vand.u32 $0xFFFFFFC0, v53  }
0x91: {  	v3 =	vor.u32 v3, v4  }
0x92: {  	v4 =	vperm.xlane v3, v0;
	_ =	sdelay $0x1  }
0x93: {  	v4 =	vadd.s32 v1, v4;
	_ =	sdelay $0x4  }
0x94: {  	[tilespmem:s19], [sflag:$0x6] =	stream.indirect_vreg.gather [hbm4b:s1+s3], $0x80, v4, vm0, $0xb8;
	[tilespmem:$0x18100] =	vst v63  }
0x95: {  	s11 =	simm.s32 $0x14900;
	v3 =	vperm.xlane v3, v2  }
0x96: {  	[tilespmem:s11], [sflag:$0x6] =	stream.indirect_vreg.gather [hbm4b:s5+s3], $0x80, v4, vm0, $0xb8;
	[tilespmem:$0x18100] =	vst v63  }
0x97: {  	v3 =	vadd.s32 v1, v3;
	s11 =	simm.s32 $0x15100  }
0x98: {  	[tilespmem:s11], [sflag:$0x6] =	stream.indirect_vreg.gather [hbm4b:s6+s3], $0x80, v4, vm0, $0xb8;
	[tilespmem:$0x18100] =	vst v63  }
0x99: {  	s11 =	simm.s32 $0x15900  }
0x9a: {  	[tilespmem:s11], [sflag:$0x6] =	stream.indirect_vreg.gather [hbm4b:s7+s3], $0x80, v4, vm0, $0xb8;
	[tilespmem:$0x18100] =	vst v63  }
0x9b: {  	s11 =	simm.s32 $0x16100  }
0x9c: {  	[tilespmem:s11], [sflag:$0x6] =	stream.indirect_vreg.gather [hbm4b:s1+s3], $0x80, v3, vm0, $0xb8;
	[tilespmem:$0x18100] =	vst v63  }
0x9d: {  	s11 =	simm.s32 $0x16900  }
0x9e: {  	[tilespmem:s11], [sflag:$0x6] =	stream.indirect_vreg.gather [hbm4b:s5+s3], $0x80, v3, vm0, $0xb8;
	[tilespmem:$0x18100] =	vst v63  }
0x9f: {  	s11 =	simm.s32 $0x17100  }
0xa0: {  	[tilespmem:s11], [sflag:$0x6] =	stream.indirect_vreg.gather [hbm4b:s6+s3], $0x80, v3, vm0, $0xb8;
	[tilespmem:$0x18100] =	vst v63  }
0xa1: {  	s11 =	simm.s32 $0x17900  }
0xa2: {  	[tilespmem:s11], [sflag:$0x6] =	stream.indirect_vreg.gather [hbm4b:s7+s3], $0x80, v3, vm0, $0xb8;
	[tilespmem:$0x18100] =	vst v63  }
0xa3: {  	_ =	swait.ge [sflag:s22], $0x4000  }
0xa4: {  	[sflag:s22] =	ssyncset.done $0x0  }
0xa5: {  	s0 =	rddreg [dreg:$0x5];
	[sflag:s22] =	ssyncadd.s32 $0xFFFFC000  }
0xa6: {  	[hbm4b:s0+s3] =	stream.linear.scatter [tilespmem:s26], [sflag:$0x8], $0x4000, $0x38;
	[tilespmem:$0x18100] =	vst v63  }
0xa7: {  	_ =	swait.ge [sflag:s23], $0x4000  }
0xa8: {  	[sflag:s23] =	ssyncset.done $0x0  }
0xa9: {  	[sflag:s23] =	ssyncadd.s32 $0xFFFFC000  }
0xaa: {  	v3 =	vld [tilespmem:$0x60];
	_ =	sdelay $0x4  }
0xab: {  	v54 =	vshll.u32 v3, $0x3  }
0xac: {  	v3 =	vand.u32 $0x7, v3;
	v4 =	vand.u32 $0xFFFFFFC0, v54  }
0xad: {  	v3 =	vor.u32 v3, v4  }
0xae: {  	v4 =	vperm.xlane v3, v0;
	_ =	sdelay $0x1  }
0xaf: {  	v4 =	vadd.s32 v1, v4;
	_ =	sdelay $0x4  }
0xb0: {  	[tilespmem:s18], [sflag:$0x1] =	stream.indirect_vreg.gather [hbm4b:s1+s3], $0x80, v4, vm0, $0xb8;
	[tilespmem:$0x18100] =	vst v63  }
0xb1: {  	s2 =	simm.s32 $0x900;
	v3 =	vperm.xlane v3, v2  }
0xb2: {  	[tilespmem:s2], [sflag:$0x1] =	stream.indirect_vreg.gather [hbm4b:s5+s3], $0x80, v4, vm0, $0xb8;
	[tilespmem:$0x18100] =	vst v63  }
0xb3: {  	v3 =	vadd.s32 v1, v3;
	s2 =	simm.s32 $0x1100  }
0xb4: {  	[tilespmem:s2], [sflag:$0x1] =	stream.indirect_vreg.gather [hbm4b:s6+s3], $0x80, v4, vm0, $0xb8;
	[tilespmem:$0x18100] =	vst v63  }
0xb5: {  	s11 =	simm.s32 $0x1900  }
0xb6: {  	[tilespmem:s11], [sflag:$0x1] =	stream.indirect_vreg.gather [hbm4b:s7+s3], $0x80, v4, vm0, $0xb8;
	[tilespmem:$0x18100] =	vst v63  }
0xb7: {  	s2 =	simm.s32 $0x2100  }
0xb8: {  	[tilespmem:s2], [sflag:$0x1] =	stream.indirect_vreg.gather [hbm4b:s1+s3], $0x80, v3, vm0, $0xb8;
	[tilespmem:$0x18100] =	vst v63  }
0xb9: {  	s11 =	simm.s32 $0x2900  }
0xba: {  	[tilespmem:s11], [sflag:$0x1] =	stream.indirect_vreg.gather [hbm4b:s5+s3], $0x80, v3, vm0, $0xb8;
	[tilespmem:$0x18100] =	vst v63  }
0xbb: {  	s2 =	simm.s32 $0x3100  }
0xbc: {  	[tilespmem:s2], [sflag:$0x1] =	stream.indirect_vreg.gather [hbm4b:s6+s3], $0x80, v3, vm0, $0xb8;
	[tilespmem:$0x18100] =	vst v63  }
0xbd: {  	s4 =	simm.s32 $0x3900  }
0xbe: {  	[tilespmem:s4], [sflag:$0x1] =	stream.indirect_vreg.gather [hbm4b:s7+s3], $0x80, v3, vm0, $0xb8;
	[tilespmem:$0x18100] =	vst v63  }
0xbf: {  	_ =	swait.ge [sflag:s24], $0x4000  }
0xc0: {  	[sflag:s24] =	ssyncset.done $0x0  }
0xc1: {  	s4 =	rddreg [dreg:$0x6];
	[sflag:s24] =	ssyncadd.s32 $0xFFFFC000  }
0xc2: {  	[hbm4b:s4+s3] =	stream.linear.scatter [tilespmem:s30], [sflag:$0x9], $0x4000, $0x38;
	[tilespmem:$0x18100] =	vst v63  }
0xc3: {  	_ =	swait.ge [sflag:s25], $0x4000  }
0xc4: {  	[sflag:s25] =	ssyncset.done $0x0  }
0xc5: {  	[sflag:s25] =	ssyncadd.s32 $0xFFFFC000  }
0xc6: {  	v3 =	vld [tilespmem:$0x70];
	_ =	sdelay $0x4  }
0xc7: {  	v55 =	vshll.u32 v3, $0x3  }
0xc8: {  	v3 =	vand.u32 $0x7, v3;
	v4 =	vand.u32 $0xFFFFFFC0, v55  }
0xc9: {  	v3 =	vor.u32 v3, v4  }
0xca: {  	v4 =	vperm.xlane v3, v0;
	_ =	sdelay $0x1  }
0xcb: {  	v4 =	vadd.s32 v1, v4;
	_ =	sdelay $0x4  }
0xcc: {  	[tilespmem:s26], [sflag:$0x2] =	stream.indirect_vreg.gather [hbm4b:s1+s3], $0x80, v4, vm0, $0xb8;
	[tilespmem:$0x18100] =	vst v63  }
0xcd: {  	s11 =	simm.s32 $0x4900;
	v3 =	vperm.xlane v3, v2  }
0xce: {  	[tilespmem:s11], [sflag:$0x2] =	stream.indirect_vreg.gather [hbm4b:s5+s3], $0x80, v4, vm0, $0xb8;
	[tilespmem:$0x18100] =	vst v63  }
0xcf: {  	s2 =	simm.s32 $0x5100;
	v3 =	vadd.s32 v1, v3  }
0xd0: {  	[tilespmem:s2], [sflag:$0x2] =	stream.indirect_vreg.gather [hbm4b:s6+s3], $0x80, v4, vm0, $0xb8;
	[tilespmem:$0x18100] =	vst v63  }
0xd1: {  	s4 =	simm.s32 $0x5900  }
0xd2: {  	[tilespmem:s4], [sflag:$0x2] =	stream.indirect_vreg.gather [hbm4b:s7+s3], $0x80, v4, vm0, $0xb8;
	[tilespmem:$0x18100] =	vst v63  }
0xd3: {  	s11 =	simm.s32 $0x6100  }
0xd4: {  	[tilespmem:s11], [sflag:$0x2] =	stream.indirect_vreg.gather [hbm4b:s1+s3], $0x80, v3, vm0, $0xb8;
	[tilespmem:$0x18100] =	vst v63  }
0xd5: {  	s2 =	simm.s32 $0x6900  }
0xd6: {  	[tilespmem:s2], [sflag:$0x2] =	stream.indirect_vreg.gather [hbm4b:s5+s3], $0x80, v3, vm0, $0xb8;
	[tilespmem:$0x18100] =	vst v63  }
0xd7: {  	s4 =	simm.s32 $0x7100  }
0xd8: {  	[tilespmem:s4], [sflag:$0x2] =	stream.indirect_vreg.gather [hbm4b:s6+s3], $0x80, v3, vm0, $0xb8;
	[tilespmem:$0x18100] =	vst v63  }
0xd9: {  	s11 =	simm.s32 $0x7900  }
0xda: {  	[tilespmem:s11], [sflag:$0x2] =	stream.indirect_vreg.gather [hbm4b:s7+s3], $0x80, v3, vm0, $0xb8;
	[tilespmem:$0x18100] =	vst v63  }
0xdb: {  	_ =	swait.ge [sflag:s28], $0x4000  }
0xdc: {  	[sflag:s28] =	ssyncset.done $0x0  }
0xdd: {  	s0 =	rddreg [dreg:$0x7];
	[sflag:s28] =	ssyncadd.s32 $0xFFFFC000  }
0xde: {  	[hbm4b:s0+s3] =	stream.linear.scatter [tilespmem:s9], [sflag:$0xA], $0x4000, $0x38;
	[tilespmem:$0x18100] =	vst v63  }
0xdf: {  	_ =	swait.ge [sflag:s29], $0x4000  }
0xe0: {  	[sflag:s29] =	ssyncset.done $0x0  }
0xe1: {  	[sflag:s29] =	ssyncadd.s32 $0xFFFFC000  }
0xe2: {  	v3 =	vld [tilespmem:$0x80];
	_ =	sdelay $0x4  }
0xe3: {  	v56 =	vshll.u32 v3, $0x3  }
0xe4: {  	v3 =	vand.u32 $0x7, v3;
	v4 =	vand.u32 $0xFFFFFFC0, v56  }
0xe5: {  	v3 =	vor.u32 v3, v4  }
0xe6: {  	v4 =	vperm.xlane v3, v0;
	_ =	sdelay $0x1  }
0xe7: {  	v4 =	vadd.s32 v1, v4;
	_ =	sdelay $0x4  }
0xe8: {  	[tilespmem:s30], [sflag:$0x3] =	stream.indirect_vreg.gather [hbm4b:s1+s3], $0x80, v4, vm0, $0xb8;
	[tilespmem:$0x18100] =	vst v63  }
0xe9: {  	s2 =	simm.s32 $0x8900;
	v3 =	vperm.xlane v3, v2  }
0xea: {  	[tilespmem:s2], [sflag:$0x3] =	stream.indirect_vreg.gather [hbm4b:s5+s3], $0x80, v4, vm0, $0xb8;
	[tilespmem:$0x18100] =	vst v63  }
0xeb: {  	s4 =	simm.s32 $0x9100;
	v3 =	vadd.s32 v1, v3  }
0xec: {  	[tilespmem:s4], [sflag:$0x3] =	stream.indirect_vreg.gather [hbm4b:s6+s3], $0x80, v4, vm0, $0xb8;
	[tilespmem:$0x18100] =	vst v63  }
0xed: {  	s11 =	simm.s32 $0x9900  }
0xee: {  	[tilespmem:s11], [sflag:$0x3] =	stream.indirect_vreg.gather [hbm4b:s7+s3], $0x80, v4, vm0, $0xb8;
	[tilespmem:$0x18100] =	vst v63  }
0xef: {  	s2 =	simm.s32 $0xA100  }
0xf0: {  	[tilespmem:s2], [sflag:$0x3] =	stream.indirect_vreg.gather [hbm4b:s1+s3], $0x80, v3, vm0, $0xb8;
	[tilespmem:$0x18100] =	vst v63  }
0xf1: {  	s4 =	simm.s32 $0xA900  }
0xf2: {  	[tilespmem:s4], [sflag:$0x3] =	stream.indirect_vreg.gather [hbm4b:s5+s3], $0x80, v3, vm0, $0xb8;
	[tilespmem:$0x18100] =	vst v63  }
0xf3: {  	s11 =	simm.s32 $0xB100  }
0xf4: {  	[tilespmem:s11], [sflag:$0x3] =	stream.indirect_vreg.gather [hbm4b:s6+s3], $0x80, v3, vm0, $0xb8;
	[tilespmem:$0x18100] =	vst v63  }
0xf5: {  	s0 =	simm.s32 $0x5;
	s2 =	simm.s32 $0xB900  }
0xf6: {  	[tilespmem:s2], [sflag:$0x3] =	stream.indirect_vreg.gather [hbm4b:s7+s3], $0x80, v3, vm0, $0xb8;
	[tilespmem:$0x18100] =	vst v63  }
0xf7: {  	_ =	swait.ge [sflag:s0], $0x4000  }
0xf8: {  	[sflag:s0] =	ssyncset.done $0x0  }
0xf9: {  	s4 =	rddreg [dreg:$0x8];
	[sflag:s0] =	ssyncadd.s32 $0xFFFFC000  }
0xfa: {  	[hbm4b:s4+s3] =	stream.linear.scatter [tilespmem:s10], [sflag:$0xB], $0x4000, $0x38;
	[tilespmem:$0x18100] =	vst v63  }
0xfb: {  	_ =	swait.ge [sflag:s31], $0x4000  }
0xfc: {  	[sflag:s31] =	ssyncset.done $0x0  }
0xfd: {  	[sflag:s31] =	ssyncadd.s32 $0xFFFFC000  }
0xfe: {  	v3 =	vld [tilespmem:$0x90];
	_ =	sdelay $0x4  }
0xff: {  	v57 =	vshll.u32 v3, $0x3  }
0x100: {  	v3 =	vand.u32 $0x7, v3;
	v4 =	vand.u32 $0xFFFFFFC0, v57  }
0x101: {  	v3 =	vor.u32 v3, v4  }
0x102: {  	v4 =	vperm.xlane v3, v0;
	_ =	sdelay $0x1  }
0x103: {  	v4 =	vadd.s32 v1, v4;
	_ =	sdelay $0x4  }
0x104: {  	[tilespmem:s9], [sflag:$0x4] =	stream.indirect_vreg.gather [hbm4b:s1+s3], $0x80, v4, vm0, $0xb8;
	[tilespmem:$0x18100] =	vst v63  }
0x105: {  	s11 =	simm.s32 $0xC900;
	v3 =	vperm.xlane v3, v2  }
0x106: {  	[tilespmem:s11], [sflag:$0x4] =	stream.indirect_vreg.gather [hbm4b:s5+s3], $0x80, v4, vm0, $0xb8;
	[tilespmem:$0x18100] =	vst v63  }
0x107: {  	s4 =	simm.s32 $0xD100;
	v3 =	vadd.s32 v1, v3  }
0x108: {  	[tilespmem:s4], [sflag:$0x4] =	stream.indirect_vreg.gather [hbm4b:s6+s3], $0x80, v4, vm0, $0xb8;
	[tilespmem:$0x18100] =	vst v63  }
0x109: {  	s11 =	simm.s32 $0xD900  }
0x10a: {  	[tilespmem:s11], [sflag:$0x4] =	stream.indirect_vreg.gather [hbm4b:s7+s3], $0x80, v4, vm0, $0xb8;
	[tilespmem:$0x18100] =	vst v63  }
0x10b: {  	s4 =	simm.s32 $0xE100  }
0x10c: {  	[tilespmem:s4], [sflag:$0x4] =	stream.indirect_vreg.gather [hbm4b:s1+s3], $0x80, v3, vm0, $0xb8;
	[tilespmem:$0x18100] =	vst v63  }
0x10d: {  	s11 =	simm.s32 $0xE900  }
0x10e: {  	[tilespmem:s11], [sflag:$0x4] =	stream.indirect_vreg.gather [hbm4b:s5+s3], $0x80, v3, vm0, $0xb8;
	[tilespmem:$0x18100] =	vst v63  }
0x10f: {  	s4 =	simm.s32 $0xF100  }
0x110: {  	[tilespmem:s4], [sflag:$0x4] =	stream.indirect_vreg.gather [hbm4b:s6+s3], $0x80, v3, vm0, $0xb8;
	[tilespmem:$0x18100] =	vst v63  }
0x111: {  	s2 =	simm.s32 $0x6;
	s11 =	simm.s32 $0xF900  }
0x112: {  	[tilespmem:s11], [sflag:$0x4] =	stream.indirect_vreg.gather [hbm4b:s7+s3], $0x80, v3, vm0, $0xb8;
	[tilespmem:$0x18100] =	vst v63  }
0x113: {  	_ =	swait.ge [sflag:s2], $0x4000  }
0x114: {  	[sflag:s2] =	ssyncset.done $0x0  }
0x115: {  	s4 =	rddreg [dreg:$0x9];
	[sflag:s2] =	ssyncadd.s32 $0xFFFFC000  }
0x116: {  	[hbm4b:s4+s3] =	stream.linear.scatter [tilespmem:s19], [sflag:$0xC], $0x4000, $0x38;
	[tilespmem:$0x18100] =	vst v63  }
0x117: {  	s4 =	simm.s32 $0xB  }
0x118: {  	_ =	swait.ge [sflag:s4], $0x4000  }
0x119: {  	[sflag:s4] =	ssyncset.done $0x0  }
0x11a: {  	[sflag:s4] =	ssyncadd.s32 $0xFFFFC000  }
0x11b: {  	v3 =	vld [tilespmem:$0xA0];
	_ =	sdelay $0x4  }
0x11c: {  	v58 =	vshll.u32 v3, $0x3  }
0x11d: {  	v3 =	vand.u32 $0x7, v3;
	v4 =	vand.u32 $0xFFFFFFC0, v58  }
0x11e: {  	v3 =	vor.u32 v3, v4  }
0x11f: {  	v4 =	vperm.xlane v3, v0;
	_ =	sdelay $0x1  }
0x120: {  	v4 =	vadd.s32 v1, v4;
	_ =	sdelay $0x4  }
0x121: {  	[tilespmem:s10], [sflag:$0x5] =	stream.indirect_vreg.gather [hbm4b:s1+s3], $0x80, v4, vm0, $0xb8;
	[tilespmem:$0x18100] =	vst v63  }
0x122: {  	v3 =	vperm.xlane v3, v2  }
0x123: {  	[tilespmem:s21], [sflag:$0x5] =	stream.indirect_vreg.gather [hbm4b:s5+s3], $0x80, v4, vm0, $0xb8;
	[tilespmem:$0x18100] =	vst v63  }
0x124: {  	v3 =	vadd.s32 v1, v3  }
0x125: {  	[tilespmem:s16], [sflag:$0x5] =	stream.indirect_vreg.gather [hbm4b:s6+s3], $0x80, v4, vm0, $0xb8;
	[tilespmem:$0x18100] =	vst v63  }
0x126: {  	_ = 	snop  }
0x127: {  	[tilespmem:s17], [sflag:$0x5] =	stream.indirect_vreg.gather [hbm4b:s7+s3], $0x80, v4, vm0, $0xb8;
	[tilespmem:$0x18100] =	vst v63  }
0x128: {  	_ = 	snop  }
0x129: {  	[tilespmem:s12], [sflag:$0x5] =	stream.indirect_vreg.gather [hbm4b:s1+s3], $0x80, v3, vm0, $0xb8;
	[tilespmem:$0x18100] =	vst v63  }
0x12a: {  	_ = 	snop  }
0x12b: {  	[tilespmem:s13], [sflag:$0x5] =	stream.indirect_vreg.gather [hbm4b:s5+s3], $0x80, v3, vm0, $0xb8;
	[tilespmem:$0x18100] =	vst v63  }
0x12c: {  	_ = 	snop  }
0x12d: {  	[tilespmem:s14], [sflag:$0x5] =	stream.indirect_vreg.gather [hbm4b:s6+s3], $0x80, v3, vm0, $0xb8;
	[tilespmem:$0x18100] =	vst v63  }
0x12e: {  	_ = 	snop  }
0x12f: {  	[tilespmem:s15], [sflag:$0x5] =	stream.indirect_vreg.gather [hbm4b:s7+s3], $0x80, v3, vm0, $0xb8;
	[tilespmem:$0x18100] =	vst v63  }
0x130: {  	_ =	swait.ge [sflag:s20], $0x4000  }
0x131: {  	[sflag:s20] =	ssyncset.done $0x0  }
0x132: {  	s12 =	rddreg [dreg:$0xa];
	[sflag:s20] =	ssyncadd.s32 $0xFFFFC000  }
0x133: {  	[hbm4b:s12+s3] =	stream.linear.scatter [tilespmem:s18], [sflag:$0x7], $0x4000, $0x38;
	[tilespmem:$0x18100] =	vst v63  }
0x134: {  	s12 =	simm.s32 $0xC  }
0x135: {  	_ =	swait.ge [sflag:s12], $0x4000  }
0x136: {  	[sflag:s12] =	ssyncset.done $0x0  }
0x137: {  	[sflag:s12] =	ssyncadd.s32 $0xFFFFC000  }
0x138: {  	v3 =	vld [tilespmem:$0xB0];
	_ =	sdelay $0x4  }
0x139: {  	v59 =	vshll.u32 v3, $0x3  }
0x13a: {  	v3 =	vand.u32 $0x7, v3;
	v4 =	vand.u32 $0xFFFFFFC0, v59  }
0x13b: {  	v3 =	vor.u32 v3, v4  }
0x13c: {  	v4 =	vperm.xlane v3, v0;
	_ =	sdelay $0x1  }
0x13d: {  	v4 =	vadd.s32 v1, v4;
	_ =	sdelay $0x4  }
0x13e: {  	[tilespmem:s19], [sflag:$0x6] =	stream.indirect_vreg.gather [hbm4b:s1+s3], $0x80, v4, vm0, $0xb8;
	[tilespmem:$0x18100] =	vst v63  }
0x13f: {  	s11 =	simm.s32 $0x14900;
	v3 =	vperm.xlane v3, v2  }
0x140: {  	[tilespmem:s11], [sflag:$0x6] =	stream.indirect_vreg.gather [hbm4b:s5+s3], $0x80, v4, vm0, $0xb8;
	[tilespmem:$0x18100] =	vst v63  }
0x141: {  	v3 =	vadd.s32 v1, v3;
	s11 =	simm.s32 $0x15100  }
0x142: {  	[tilespmem:s11], [sflag:$0x6] =	stream.indirect_vreg.gather [hbm4b:s6+s3], $0x80, v4, vm0, $0xb8;
	[tilespmem:$0x18100] =	vst v63  }
0x143: {  	s11 =	simm.s32 $0x15900  }
0x144: {  	[tilespmem:s11], [sflag:$0x6] =	stream.indirect_vreg.gather [hbm4b:s7+s3], $0x80, v4, vm0, $0xb8;
	[tilespmem:$0x18100] =	vst v63  }
0x145: {  	s11 =	simm.s32 $0x16100  }
0x146: {  	[tilespmem:s11], [sflag:$0x6] =	stream.indirect_vreg.gather [hbm4b:s1+s3], $0x80, v3, vm0, $0xb8;
	[tilespmem:$0x18100] =	vst v63  }
0x147: {  	s11 =	simm.s32 $0x16900  }
0x148: {  	[tilespmem:s11], [sflag:$0x6] =	stream.indirect_vreg.gather [hbm4b:s5+s3], $0x80, v3, vm0, $0xb8;
	[tilespmem:$0x18100] =	vst v63  }
0x149: {  	s11 =	simm.s32 $0x17100  }
0x14a: {  	[tilespmem:s11], [sflag:$0x6] =	stream.indirect_vreg.gather [hbm4b:s6+s3], $0x80, v3, vm0, $0xb8;
	[tilespmem:$0x18100] =	vst v63  }
0x14b: {  	s11 =	simm.s32 $0x17900  }
0x14c: {  	[tilespmem:s11], [sflag:$0x6] =	stream.indirect_vreg.gather [hbm4b:s7+s3], $0x80, v3, vm0, $0xb8;
	[tilespmem:$0x18100] =	vst v63  }
0x14d: {  	_ =	swait.ge [sflag:s22], $0x4000  }
0x14e: {  	[sflag:s22] =	ssyncset.done $0x0  }
0x14f: {  	s11 =	rddreg [dreg:$0xb];
	[sflag:s22] =	ssyncadd.s32 $0xFFFFC000  }
0x150: {  	[hbm4b:s11+s3] =	stream.linear.scatter [tilespmem:s26], [sflag:$0x8], $0x4000, $0x38;
	[tilespmem:$0x18100] =	vst v63  }
0x151: {  	_ =	swait.ge [sflag:s23], $0x4000  }
0x152: {  	[sflag:s23] =	ssyncset.done $0x0  }
0x153: {  	[sflag:s23] =	ssyncadd.s32 $0xFFFFC000  }
0x154: {  	v3 =	vld [tilespmem:$0xC0];
	_ =	sdelay $0x4  }
0x155: {  	v60 =	vshll.u32 v3, $0x3  }
0x156: {  	v3 =	vand.u32 $0x7, v3;
	v4 =	vand.u32 $0xFFFFFFC0, v60  }
0x157: {  	v3 =	vor.u32 v3, v4  }
0x158: {  	v4 =	vperm.xlane v3, v0;
	_ =	sdelay $0x1  }
0x159: {  	v4 =	vadd.s32 v1, v4;
	_ =	sdelay $0x4  }
0x15a: {  	[tilespmem:s18], [sflag:$0x1] =	stream.indirect_vreg.gather [hbm4b:s1+s3], $0x80, v4, vm0, $0xb8;
	[tilespmem:$0x18100] =	vst v63  }
0x15b: {  	s11 =	simm.s32 $0x900;
	v3 =	vperm.xlane v3, v2  }
0x15c: {  	[tilespmem:s11], [sflag:$0x1] =	stream.indirect_vreg.gather [hbm4b:s5+s3], $0x80, v4, vm0, $0xb8;
	[tilespmem:$0x18100] =	vst v63  }
0x15d: {  	v3 =	vadd.s32 v1, v3;
	s11 =	simm.s32 $0x1100  }
0x15e: {  	[tilespmem:s11], [sflag:$0x1] =	stream.indirect_vreg.gather [hbm4b:s6+s3], $0x80, v4, vm0, $0xb8;
	[tilespmem:$0x18100] =	vst v63  }
0x15f: {  	s11 =	simm.s32 $0x1900  }
0x160: {  	[tilespmem:s11], [sflag:$0x1] =	stream.indirect_vreg.gather [hbm4b:s7+s3], $0x80, v4, vm0, $0xb8;
	[tilespmem:$0x18100] =	vst v63  }
0x161: {  	s11 =	simm.s32 $0x2100  }
0x162: {  	[tilespmem:s11], [sflag:$0x1] =	stream.indirect_vreg.gather [hbm4b:s1+s3], $0x80, v3, vm0, $0xb8;
	[tilespmem:$0x18100] =	vst v63  }
0x163: {  	s11 =	simm.s32 $0x2900  }
0x164: {  	[tilespmem:s11], [sflag:$0x1] =	stream.indirect_vreg.gather [hbm4b:s5+s3], $0x80, v3, vm0, $0xb8;
	[tilespmem:$0x18100] =	vst v63  }
0x165: {  	s11 =	simm.s32 $0x3100  }
0x166: {  	[tilespmem:s11], [sflag:$0x1] =	stream.indirect_vreg.gather [hbm4b:s6+s3], $0x80, v3, vm0, $0xb8;
	[tilespmem:$0x18100] =	vst v63  }
0x167: {  	s11 =	simm.s32 $0x3900  }
0x168: {  	[tilespmem:s11], [sflag:$0x1] =	stream.indirect_vreg.gather [hbm4b:s7+s3], $0x80, v3, vm0, $0xb8;
	[tilespmem:$0x18100] =	vst v63  }
0x169: {  	_ =	swait.ge [sflag:s24], $0x4000  }
0x16a: {  	[sflag:s24] =	ssyncset.done $0x0  }
0x16b: {  	s11 =	rddreg [dreg:$0xc];
	[sflag:s24] =	ssyncadd.s32 $0xFFFFC000  }
0x16c: {  	[hbm4b:s11+s3] =	stream.linear.scatter [tilespmem:s30], [sflag:$0x9], $0x4000, $0x38;
	[tilespmem:$0x18100] =	vst v63  }
0x16d: {  	_ =	swait.ge [sflag:s25], $0x4000  }
0x16e: {  	[sflag:s25] =	ssyncset.done $0x0  }
0x16f: {  	[sflag:s25] =	ssyncadd.s32 $0xFFFFC000  }
0x170: {  	v3 =	vld [tilespmem:$0xD0];
	_ =	sdelay $0x4  }
0x171: {  	v61 =	vshll.u32 v3, $0x3  }
0x172: {  	v3 =	vand.u32 $0x7, v3;
	v4 =	vand.u32 $0xFFFFFFC0, v61  }
0x173: {  	v3 =	vor.u32 v3, v4  }
0x174: {  	v4 =	vperm.xlane v3, v0;
	_ =	sdelay $0x1  }
0x175: {  	v4 =	vadd.s32 v1, v4;
	_ =	sdelay $0x4  }
0x176: {  	[tilespmem:s26], [sflag:$0x2] =	stream.indirect_vreg.gather [hbm4b:s1+s3], $0x80, v4, vm0, $0xb8;
	[tilespmem:$0x18100] =	vst v63  }
0x177: {  	s11 =	simm.s32 $0x4900;
	v3 =	vperm.xlane v3, v2  }
0x178: {  	[tilespmem:s11], [sflag:$0x2] =	stream.indirect_vreg.gather [hbm4b:s5+s3], $0x80, v4, vm0, $0xb8;
	[tilespmem:$0x18100] =	vst v63  }
0x179: {  	v3 =	vadd.s32 v1, v3;
	s11 =	simm.s32 $0x5100  }
0x17a: {  	[tilespmem:s11], [sflag:$0x2] =	stream.indirect_vreg.gather [hbm4b:s6+s3], $0x80, v4, vm0, $0xb8;
	[tilespmem:$0x18100] =	vst v63  }
0x17b: {  	s11 =	simm.s32 $0x5900  }
0x17c: {  	[tilespmem:s11], [sflag:$0x2] =	stream.indirect_vreg.gather [hbm4b:s7+s3], $0x80, v4, vm0, $0xb8;
	[tilespmem:$0x18100] =	vst v63  }
0x17d: {  	s11 =	simm.s32 $0x6100  }
0x17e: {  	[tilespmem:s11], [sflag:$0x2] =	stream.indirect_vreg.gather [hbm4b:s1+s3], $0x80, v3, vm0, $0xb8;
	[tilespmem:$0x18100] =	vst v63  }
0x17f: {  	s11 =	simm.s32 $0x6900  }
0x180: {  	[tilespmem:s11], [sflag:$0x2] =	stream.indirect_vreg.gather [hbm4b:s5+s3], $0x80, v3, vm0, $0xb8;
	[tilespmem:$0x18100] =	vst v63  }
0x181: {  	s11 =	simm.s32 $0x7100  }
0x182: {  	[tilespmem:s11], [sflag:$0x2] =	stream.indirect_vreg.gather [hbm4b:s6+s3], $0x80, v3, vm0, $0xb8;
	[tilespmem:$0x18100] =	vst v63  }
0x183: {  	s11 =	simm.s32 $0x7900  }
0x184: {  	[tilespmem:s11], [sflag:$0x2] =	stream.indirect_vreg.gather [hbm4b:s7+s3], $0x80, v3, vm0, $0xb8;
	[tilespmem:$0x18100] =	vst v63  }
0x185: {  	_ =	swait.ge [sflag:s28], $0x4000  }
0x186: {  	[sflag:s28] =	ssyncset.done $0x0  }
0x187: {  	s11 =	rddreg [dreg:$0xd];
	[sflag:s28] =	ssyncadd.s32 $0xFFFFC000  }
0x188: {  	[hbm4b:s11+s3] =	stream.linear.scatter [tilespmem:s9], [sflag:$0xA], $0x4000, $0x38;
	[tilespmem:$0x18100] =	vst v63  }
0x189: {  	_ =	swait.ge [sflag:s29], $0x4000  }
0x18a: {  	[sflag:s29] =	ssyncset.done $0x0  }
0x18b: {  	[sflag:s29] =	ssyncadd.s32 $0xFFFFC000  }
0x18c: {  	v3 =	vld [tilespmem:$0xE0];
	_ =	sdelay $0x4  }
0x18d: {  	v62 =	vshll.u32 v3, $0x3  }
0x18e: {  	v3 =	vand.u32 $0x7, v3;
	v4 =	vand.u32 $0xFFFFFFC0, v62  }
0x18f: {  	v3 =	vor.u32 v3, v4  }
0x190: {  	v4 =	vperm.xlane v3, v0;
	_ =	sdelay $0x1  }
0x191: {  	v4 =	vadd.s32 v1, v4;
	_ =	sdelay $0x4  }
0x192: {  	[tilespmem:s30], [sflag:$0x3] =	stream.indirect_vreg.gather [hbm4b:s1+s3], $0x80, v4, vm0, $0xb8;
	[tilespmem:$0x18100] =	vst v63  }
0x193: {  	s11 =	simm.s32 $0x8900;
	v3 =	vperm.xlane v3, v2  }
0x194: {  	[tilespmem:s11], [sflag:$0x3] =	stream.indirect_vreg.gather [hbm4b:s5+s3], $0x80, v4, vm0, $0xb8;
	[tilespmem:$0x18100] =	vst v63  }
0x195: {  	v3 =	vadd.s32 v1, v3;
	s11 =	simm.s32 $0x9100  }
0x196: {  	[tilespmem:s11], [sflag:$0x3] =	stream.indirect_vreg.gather [hbm4b:s6+s3], $0x80, v4, vm0, $0xb8;
	[tilespmem:$0x18100] =	vst v63  }
0x197: {  	s11 =	simm.s32 $0x9900  }
0x198: {  	[tilespmem:s11], [sflag:$0x3] =	stream.indirect_vreg.gather [hbm4b:s7+s3], $0x80, v4, vm0, $0xb8;
	[tilespmem:$0x18100] =	vst v63  }
0x199: {  	s11 =	simm.s32 $0xA100  }
0x19a: {  	[tilespmem:s11], [sflag:$0x3] =	stream.indirect_vreg.gather [hbm4b:s1+s3], $0x80, v3, vm0, $0xb8;
	[tilespmem:$0x18100] =	vst v63  }
0x19b: {  	s11 =	simm.s32 $0xA900  }
0x19c: {  	[tilespmem:s11], [sflag:$0x3] =	stream.indirect_vreg.gather [hbm4b:s5+s3], $0x80, v3, vm0, $0xb8;
	[tilespmem:$0x18100] =	vst v63  }
0x19d: {  	s11 =	simm.s32 $0xB100  }
0x19e: {  	[tilespmem:s11], [sflag:$0x3] =	stream.indirect_vreg.gather [hbm4b:s6+s3], $0x80, v3, vm0, $0xb8;
	[tilespmem:$0x18100] =	vst v63  }
0x19f: {  	s11 =	simm.s32 $0xB900  }
0x1a0: {  	[tilespmem:s11], [sflag:$0x3] =	stream.indirect_vreg.gather [hbm4b:s7+s3], $0x80, v3, vm0, $0xb8;
	[tilespmem:$0x18100] =	vst v63  }
0x1a1: {  	_ =	swait.ge [sflag:s0], $0x4000  }
0x1a2: {  	[sflag:s0] =	ssyncset.done $0x0  }
0x1a3: {  	s11 =	rddreg [dreg:$0xe];
	[sflag:s0] =	ssyncadd.s32 $0xFFFFC000  }
0x1a4: {  	[hbm4b:s11+s3] =	stream.linear.scatter [tilespmem:s10], [sflag:$0xB], $0x4000, $0x38;
	[tilespmem:$0x18100] =	vst v63  }
0x1a5: {  	_ =	swait.ge [sflag:s31], $0x4000  }
0x1a6: {  	[sflag:s31] =	ssyncset.done $0x0  }
0x1a7: {  	[sflag:s31] =	ssyncadd.s32 $0xFFFFC000  }
0x1a8: {  	v3 =	vld [tilespmem:$0xF0];
	_ =	sdelay $0x4  }
0x1a9: {  	v63 =	vshll.u32 v3, $0x3  }
0x1aa: {  	v3 =	vand.u32 $0x7, v3;
	v4 =	vand.u32 $0xFFFFFFC0, v63  }
0x1ab: {  	v3 =	vor.u32 v3, v4  }
0x1ac: {  	v4 =	vperm.xlane v3, v0;
	_ =	sdelay $0x1  }
0x1ad: {  	v4 =	vadd.s32 v1, v4;
	_ =	sdelay $0x4  }
0x1ae: {  	[tilespmem:s9], [sflag:$0x4] =	stream.indirect_vreg.gather [hbm4b:s1+s3], $0x80, v4, vm0, $0xb8;
	[tilespmem:$0x18100] =	vst v63  }
0x1af: {  	s11 =	simm.s32 $0xC900;
	v3 =	vperm.xlane v3, v2  }
0x1b0: {  	[tilespmem:s11], [sflag:$0x4] =	stream.indirect_vreg.gather [hbm4b:s5+s3], $0x80, v4, vm0, $0xb8;
	[tilespmem:$0x18100] =	vst v63  }
0x1b1: {  	v3 =	vadd.s32 v1, v3;
	s11 =	simm.s32 $0xD100  }
0x1b2: {  	[tilespmem:s11], [sflag:$0x4] =	stream.indirect_vreg.gather [hbm4b:s6+s3], $0x80, v4, vm0, $0xb8;
	[tilespmem:$0x18100] =	vst v63  }
0x1b3: {  	s11 =	simm.s32 $0xD900  }
0x1b4: {  	[tilespmem:s11], [sflag:$0x4] =	stream.indirect_vreg.gather [hbm4b:s7+s3], $0x80, v4, vm0, $0xb8;
	[tilespmem:$0x18100] =	vst v63  }
0x1b5: {  	s11 =	simm.s32 $0xE100  }
0x1b6: {  	[tilespmem:s11], [sflag:$0x4] =	stream.indirect_vreg.gather [hbm4b:s1+s3], $0x80, v3, vm0, $0xb8;
	[tilespmem:$0x18100] =	vst v63  }
0x1b7: {  	s11 =	simm.s32 $0xE900  }
0x1b8: {  	[tilespmem:s11], [sflag:$0x4] =	stream.indirect_vreg.gather [hbm4b:s5+s3], $0x80, v3, vm0, $0xb8;
	[tilespmem:$0x18100] =	vst v63  }
0x1b9: {  	s11 =	simm.s32 $0xF100  }
0x1ba: {  	[tilespmem:s11], [sflag:$0x4] =	stream.indirect_vreg.gather [hbm4b:s6+s3], $0x80, v3, vm0, $0xb8;
	[tilespmem:$0x18100] =	vst v63  }
0x1bb: {  	s11 =	simm.s32 $0xF900  }
0x1bc: {  	[tilespmem:s11], [sflag:$0x4] =	stream.indirect_vreg.gather [hbm4b:s7+s3], $0x80, v3, vm0, $0xb8;
	[tilespmem:$0x18100] =	vst v63  }
0x1bd: {  	_ =	swait.ge [sflag:s2], $0x4000  }
0x1be: {  	[sflag:s2] =	ssyncset.done $0x0  }
0x1bf: {  	s0 =	rddreg [dreg:$0xf];
	[sflag:s2] =	ssyncadd.s32 $0xFFFFC000  }
0x1c0: {  	[hbm4b:s0+s3] =	stream.linear.scatter [tilespmem:s19], [sflag:$0xC], $0x4000, $0x38;
	[tilespmem:$0x18100] =	vst v63  }
0x1c1: {  	_ =	swait.ge [sflag:s20], $0x4000  }
0x1c2: {  	[sflag:s20] =	ssyncset.done $0x0  }
0x1c3: {  	s0 =	rddreg [dreg:$0x10];
	[sflag:s20] =	ssyncadd.s32 $0xFFFFC000  }
0x1c4: {  	[hbm4b:s0+s3] =	stream.linear.scatter [tilespmem:s18], [sflag:$0x7], $0x4000, $0x38;
	[tilespmem:$0x18100] =	vst v63  }
0x1c5: {  	_ =	swait.ge [sflag:s22], $0x4000  }
0x1c6: {  	[sflag:s22] =	ssyncset.done $0x0  }
0x1c7: {  	s2 =	rddreg [dreg:$0x11];
	[sflag:s22] =	ssyncadd.s32 $0xFFFFC000  }
0x1c8: {  	[hbm4b:s2+s3] =	stream.linear.scatter [tilespmem:s26], [sflag:$0x8], $0x4000, $0x38;
	[tilespmem:$0x18100] =	vst v63  }
0x1c9: {  	_ =	swait.ge [sflag:s24], $0x4000  }
0x1ca: {  	[sflag:s24] =	ssyncset.done $0x0  }
0x1cb: {  	s0 =	rddreg [dreg:$0x12];
	[sflag:s24] =	ssyncadd.s32 $0xFFFFC000  }
0x1cc: {  	[hbm4b:s0+s3] =	stream.linear.scatter [tilespmem:s30], [sflag:$0x9], $0x4000, $0x38;
	[tilespmem:$0x18100] =	vst v63  }
0x1cd: {  	_ =	swait.ge [sflag:s28], $0x4000  }
0x1ce: {  	[sflag:s28] =	ssyncset.done $0x0  }
0x1cf: {  	s2 =	rddreg [dreg:$0x13];
	[sflag:s28] =	ssyncadd.s32 $0xFFFFC000  }
0x1d0: {  	[hbm4b:s2+s3] =	stream.linear.scatter [tilespmem:s9], [sflag:$0xA], $0x4000, $0x38;
	[tilespmem:$0x18100] =	vst v63  }
0x1d1: {  	_ =	swait.ge [sflag:s23], $0x4000  }
0x1d2: {  	[sflag:s23] =	ssyncset.done $0x0  }
0x1d3: {  	[sflag:s23] =	ssyncadd.s32 $0xFFFFC000  }
0x1d4: {  	_ =	swait.ge [sflag:s25], $0x4000  }
0x1d5: {  	[sflag:s25] =	ssyncset.done $0x0  }
0x1d6: {  	[sflag:s25] =	ssyncadd.s32 $0xFFFFC000  }
0x1d7: {  	_ =	swait.ge [sflag:s29], $0x4000  }
0x1d8: {  	[sflag:s29] =	ssyncset.done $0x0  }
0x1d9: {  	[sflag:s29] =	ssyncadd.s32 $0xFFFFC000  }
0x1da: {  	_ =	swait.ge [sflag:s31], $0x4000  }
0x1db: {  	[sflag:s31] =	ssyncset.done $0x0  }
0x1dc: {  	[sflag:s31] =	ssyncadd.s32 $0xFFFFC000  }
0x1dd: {  	p0 =	sne.s32 s8, $0x1;
	_ =	swait.ge [sflag:s4], $0x4000  }
.Ltmp0:
0x1de: {  	[sflag:s4] =	ssyncset.done $0x0;
	(pc) =	sbr.rel @p0 .LBB2_1-.Ltmp0, $4  }
0x1df: {  	[sflag:s4] =	ssyncadd.s32 $0xFFFFC000  }
0x1e0: {  	_ =	swait.ge [sflag:s12], $0x4000  }
0x1e1: {  	[sflag:s12] =	ssyncset.done $0x0  }
0x1e2: {  	s8 =	sadd.s32 $0xFFFFFFFF, s8;
	[sflag:s12] =	ssyncadd.s32 $0xFFFFC000  }
0x1e3: {  	_ =	sfence.sel $0x180000  }
0x1e4: {  	[bflag:$0x0] =	sbarrier.arrive $0xFFFF  }
0x1e5: {  	_ =	strace $0x90000047  }
0x1e6: {  	s0 =	stileid.u32;
	[bflag:$0x2] =	sbarrier.arrive $0xFFFF  }
0x1e7: {  	p0 =	sne.s32 s0, $0x0;
	s0 =	rddreg [dreg:$0x3]  }
0x1e8: {  	s0 =	sadd.s32 @!p0 $0x100000, s0  }
0x1e9: {  	[sflag:s0] =	ssyncadd.tile.s32 @!p0 $0x1;
	_ =	shalt  }
.Lfunc_end2:
_tile_overlayer_lowered:
.L_overlay_start_2:
0x1ea: {  	(tag) =	ssettag $0x2  }
0x1eb: {  	s0 =	rddreg [dreg:$0x0];
	s2 =	stileid.u32  }
0x1ec: {  	s1 =	rddreg [dreg:$0x1];
	p0 =	sne.s32 s2, $0x0  }
0x1ed: {  	s3 =	rddreg [dreg:$0x2];
	[bflag:$0x3] =	sbarrier.arrive $0xFFFF;
	s2 =	simm.s32 @!p0 $0x1C0D  }
0x1ee: {  	[timem:s3], [sflag:s2] =	dma.local @!p0 [hbm:s0], s1  }
0x1ef: {  	s0 =	simm.s32 @!p0 $0xD  }
0x1f0: {  	_ =	swait.ge @!p0 [sflag:s0], s1  }
0x1f1: {  	s1 =	ssub.s32 @!p0 $0x0, s1;
	[sflag:s0] =	ssyncset.done @!p0 $0x0  }
0x1f2: {  	[sflag:s0] =	ssyncadd.s32 @!p0 s1  }
0x1f3: {  	[bflag:$0x3] =	sbarrier.arrive $0xFFFF  }
0x1f4: {  	_ =	shalt  }

</sc_bundles>
